<compile_context>
chip_gen: v7x
topology: tpu7x:2x2x1
jax: 0.10.2.dev20260603
libtpu: 0.0.44.dev20260713+nightly
codegen_flags: <defaults>
</compile_context>

<pallas_src>
import functools

import jax
import jax.numpy as jnp
from jax import lax
from jax.experimental import pallas as pl
from jax.experimental.pallas import tpu as pltpu
from jax.experimental.pallas import tpu_sc as plsc

NC = 2
NS = 16
NW = NC * NS


@functools.cache
def _make_gather(b, h, v, d, nbuf):
    b_per_w = b // NW
    n_groups = b_per_w // nbuf
    assert b % NW == 0 and b_per_w % nbuf == 0
    mesh = plsc.VectorSubcoreMesh(core_axis_name="c", subcore_axis_name="s")

    @functools.partial(
        pl.kernel,
        out_type=jax.ShapeDtypeStruct((b, h, d), jnp.float32),
        mesh=mesh,
        scratch_types=[
            pltpu.VMEM((b_per_w, h), jnp.int32),
            pltpu.VMEM((nbuf, h, d), jnp.float32),
            pltpu.SemaphoreType.DMA((nbuf,)),
            pltpu.SemaphoreType.DMA((nbuf,)),
        ],
        compiler_params=pltpu.CompilerParams(use_tc_tiling_on_sc=False),
    )
    def gather_kernel(table_hbm, inp_hbm, out_hbm, idx_v, rows_v, gsem, osem):
        wid = lax.axis_index("s") * NC + lax.axis_index("c")
        wb = pl.multiple_of(wid * b_per_w, b_per_w)
        pltpu.sync_copy(inp_hbm.at[pl.ds(wb, b_per_w)], idx_v)

        def gather_desc(bi, buf):
            return pltpu.make_async_copy(
                table_hbm.at[idx_v.at[bi]],
                rows_v.at[buf],
                gsem.at[buf],
            )

        def out_desc(bi, buf):
            return pltpu.make_async_copy(
                rows_v.at[buf],
                out_hbm.at[wb + bi],
                osem.at[buf],
            )

        for buf in range(nbuf):
            gather_desc(jnp.int32(buf), buf).start()

        def group(go, carry):
            for buf in range(nbuf):
                bi = go * nbuf + buf
                gather_desc(bi, buf).wait()
                out_desc(bi, buf).start()

            @pl.when(go < n_groups - 1)
            def _():
                for buf in range(nbuf):
                    out_desc(go * nbuf + buf, buf).wait()
                    gather_desc((go + 1) * nbuf + buf, buf).start()

            return carry

        lax.fori_loop(0, n_groups, group, 0, unroll=False)

        for buf in range(nbuf):
            out_desc(jnp.int32((n_groups - 1) * nbuf + buf), buf).wait()

    return gather_kernel


def kernel(model_input, table):
    b, h = model_input.shape
    v, d = table.shape
    idx = model_input.astype(jnp.int32)
    return _make_gather(b, h, v, d, 8)(table, idx)

# --- scband reference (transcript-rebuilt; emitter-appended) ---
"""Pipeline reference for scband-embeddings-module-8942121911154 (READ-ONLY COPY).

The authoritative reference and input builder live on the scoring server;
editing this copy changes nothing except your own understanding.
"""

import jax, jax.numpy as jnp
import numpy as np

NUM_EMBEDDINGS = 1000000
EMBEDDING_DIM = 32
BATCH = 16384
HIST_LEN = 50


def setup_inputs(seed: int = 0) -> dict:
    key = jax.random.key(seed)
    k_idx, k_tab = jax.random.split(key)
    model_input = jax.random.randint(k_idx, (BATCH, HIST_LEN), 0, NUM_EMBEDDINGS, dtype=jnp.int64 if jax.config.jax_enable_x64 else jnp.int32)
    # nn.Embedding weight initialized uniform(-0.1, 0.1) per init_layers_uniform
    table = jax.random.uniform(k_tab, (NUM_EMBEDDINGS, EMBEDDING_DIM), dtype=jnp.float32, minval=-0.1, maxval=0.1)
    return {"model_input": model_input, "table": table}


def reference(model_input, table):
    # EmbeddingsModule.forward: self.model(model_input) -> embedding gather
    return jnp.take(table, model_input, axis=0)

if __name__ == "__main__":
    import jax
    _d = setup_inputs()
    print(jax.jit(kernel)(*tuple(_d.values())))

</pallas_src>

<mosaic_0001>
#map = affine_map<(d0, d1) -> (0, 0)>
#map1 = affine_map<(d0, d1) -> (0, 0, 0)>
module attributes {stable_mosaic.version = 14 : i64} {
  func.func @gather_kernel(%arg0: i32, %arg1: i32, %arg2: memref<1000000x32xf32, #tpu.memory_space<hbm>>, %arg3: memref<16384x50xi32, #tpu.memory_space<hbm>>, %arg4: memref<16384x50x32xf32, #tpu.memory_space<hbm>>, %arg5: memref<512x50xi32, #tpu.memory_space<vmem>>, %arg6: memref<8x50x32xf32, #tpu.memory_space<vmem>>, %arg7: memref<8x!tpu.dma_semaphore, #tpu.memory_space<semaphore_mem>>, %arg8: memref<8x!tpu.dma_semaphore, #tpu.memory_space<semaphore_mem>>) attributes {dimension_semantics = [#tpu.dimension_semantics<core_parallel>, #tpu.dimension_semantics<subcore_parallel>], iteration_bounds = array<i64: 2, 16>, scalar_prefetch = 0 : i64, scratch_operands = 4 : i64, tpu.core_type = #tpu.core_type<sc_vector_subcore>, window_params = [{transform_indices = #map}, {transform_indices = #map}, {transform_indices = #map1}]} {
    %mul3A = arith.constant 2 : i32
    %mul3A_0 = arith.muli %arg1, %mul3A : i32
    %add3A = arith.addi %mul3A_0, %arg0 : i32
    %mul3A_1 = arith.constant 512 : i32
    %mul3A_2 = arith.muli %add3A, %mul3A_1 : i32
    %multiple_of3A = tpu.assume_multiple %mul3A_2, 512 : i32
    "tpu.region"() ({
      %run_scoped3A = tpu.sem_alloc : memref<!tpu.dma_semaphore, #tpu.memory_space<semaphore_mem>>
      %dma_start3A_302 = arith.constant 0 : i32
      %dma_start3A_303 = tpu.memref_slice %arg3[%multiple_of3A, %dma_start3A_302] : memref<16384x50xi32, #tpu.memory_space<hbm>> -> memref<512x50xi32, #tpu.memory_space<hbm>>
      %dma_start3A_304 = arith.constant 0 : i32
      %dma_start3A_305 = tpu.memref_slice %arg3[%multiple_of3A, %dma_start3A_304] : memref<16384x50xi32, #tpu.memory_space<hbm>> -> memref<512x50xi32, #tpu.memory_space<hbm>>
      tpu.enqueue_dma source(%dma_start3A_305 : memref<512x50xi32, #tpu.memory_space<hbm>>) target(%arg5 : memref<512x50xi32, #tpu.memory_space<vmem>>) target_semaphore(%run_scoped3A : memref<!tpu.dma_semaphore, #tpu.memory_space<semaphore_mem>>)
      %dma_wait3A_306 = arith.constant 0 : i32
      %dma_wait3A_307 = tpu.memref_slice %arg3[%multiple_of3A, %dma_wait3A_306] : memref<16384x50xi32, #tpu.memory_space<hbm>> -> memref<512x50xi32, #tpu.memory_space<hbm>>
      %dma_wait3A_308 = arith.constant 0 : i32
      %dma_wait3A_309 = tpu.memref_slice %arg3[%multiple_of3A, %dma_wait3A_308] : memref<16384x50xi32, #tpu.memory_space<hbm>> -> memref<512x50xi32, #tpu.memory_space<hbm>>
      tpu.wait_dma2 semaphore(%run_scoped3A : memref<!tpu.dma_semaphore, #tpu.memory_space<semaphore_mem>>) src(%dma_wait3A_309 : memref<512x50xi32, #tpu.memory_space<hbm>>) dst(%arg5 : memref<512x50xi32, #tpu.memory_space<vmem>>)
      tpu.yield
    }) : () -> ()
    %dma_start3A = arith.constant 0 : i32
    %dma_start3A_3 = arith.constant 0 : i32
    %dma_start3A_4 = arith.constant 0 : i32
    %dma_start3A_5 = arith.constant 0 : i32
    %dma_start3A_6 = arith.constant 0 : i32
    %dma_start3A_7 = tpu.memref_slice %arg6[%dma_start3A_3, %dma_start3A_5, %dma_start3A_6] : memref<8x50x32xf32, #tpu.memory_space<vmem>> -> memref<1x50x32xf32, #tpu.memory_space<vmem>>
    %dma_start3A_8 = tpu.memref_squeeze %dma_start3A_7 : memref<1x50x32xf32, #tpu.memory_space<vmem>> -> memref<50x32xf32, #tpu.memory_space<vmem>>
    %dma_start3A_9 = arith.constant 0 : i32
    %dma_start3A_10 = tpu.memref_slice %arg5[%dma_start3A, %dma_start3A_9] : memref<512x50xi32, #tpu.memory_space<vmem>> -> memref<1x50xi32, #tpu.memory_space<vmem>>
    %dma_start3A_11 = tpu.memref_squeeze %dma_start3A_10 : memref<1x50xi32, #tpu.memory_space<vmem>> -> memref<50xi32, #tpu.memory_space<vmem>>
    %dma_start3A_12 = arith.constant 0 : i32
    %dma_start3A_13 = arith.constant 0 : i32
    %dma_start3A_14 = tpu.memref_slice %arg2[%dma_start3A_12, %dma_start3A_13] : memref<1000000x32xf32, #tpu.memory_space<hbm>> -> memref<1000000x32xf32, #tpu.memory_space<hbm>>
    %dma_start3A_15 = tpu.memref_slice %arg7[%dma_start3A_4] : memref<8x!tpu.dma_semaphore, #tpu.memory_space<semaphore_mem>> -> memref<1x!tpu.dma_semaphore, #tpu.memory_space<semaphore_mem>>
    %dma_start3A_16 = tpu.memref_squeeze %dma_start3A_15 : memref<1x!tpu.dma_semaphore, #tpu.memory_space<semaphore_mem>> -> memref<!tpu.dma_semaphore, #tpu.memory_space<semaphore_mem>>
    tpu.enqueue_indirect_dma source(%dma_start3A_14 : memref<1000000x32xf32, #tpu.memory_space<hbm>>) target(%dma_start3A_8 : memref<50x32xf32, #tpu.memory_space<vmem>>) offsets(%dma_start3A_11 : memref<50xi32, #tpu.memory_space<vmem>>) semaphore(%dma_start3A_16 : memref<!tpu.dma_semaphore, #tpu.memory_space<semaphore_mem>>)
    %dma_start3A_17 = arith.constant 1 : i32
    %dma_start3A_18 = arith.constant 1 : i32
    %dma_start3A_19 = arith.constant 1 : i32
    %dma_start3A_20 = arith.constant 0 : i32
    %dma_start3A_21 = arith.constant 0 : i32
    %dma_start3A_22 = tpu.memref_slice %arg6[%dma_start3A_18, %dma_start3A_20, %dma_start3A_21] : memref<8x50x32xf32, #tpu.memory_space<vmem>> -> memref<1x50x32xf32, #tpu.memory_space<vmem>>
    %dma_start3A_23 = tpu.memref_squeeze %dma_start3A_22 : memref<1x50x32xf32, #tpu.memory_space<vmem>> -> memref<50x32xf32, #tpu.memory_space<vmem>>
    %dma_start3A_24 = arith.constant 0 : i32
    %dma_start3A_25 = tpu.memref_slice %arg5[%dma_start3A_17, %dma_start3A_24] : memref<512x50xi32, #tpu.memory_space<vmem>> -> memref<1x50xi32, #tpu.memory_space<vmem>>
    %dma_start3A_26 = tpu.memref_squeeze %dma_start3A_25 : memref<1x50xi32, #tpu.memory_space<vmem>> -> memref<50xi32, #tpu.memory_space<vmem>>
    %dma_start3A_27 = arith.constant 0 : i32
    %dma_start3A_28 = arith.constant 0 : i32
    %dma_start3A_29 = tpu.memref_slice %arg2[%dma_start3A_27, %dma_start3A_28] : memref<1000000x32xf32, #tpu.memory_space<hbm>> -> memref<1000000x32xf32, #tpu.memory_space<hbm>>
    %dma_start3A_30 = tpu.memref_slice %arg7[%dma_start3A_19] : memref<8x!tpu.dma_semaphore, #tpu.memory_space<semaphore_mem>> -> memref<1x!tpu.dma_semaphore, #tpu.memory_space<semaphore_mem>>
    %dma_start3A_31 = tpu.memref_squeeze %dma_start3A_30 : memref<1x!tpu.dma_semaphore, #tpu.memory_space<semaphore_mem>> -> memref<!tpu.dma_semaphore, #tpu.memory_space<semaphore_mem>>
    tpu.enqueue_indirect_dma source(%dma_start3A_29 : memref<1000000x32xf32, #tpu.memory_space<hbm>>) target(%dma_start3A_23 : memref<50x32xf32, #tpu.memory_space<vmem>>) offsets(%dma_start3A_26 : memref<50xi32, #tpu.memory_space<vmem>>) semaphore(%dma_start3A_31 : memref<!tpu.dma_semaphore, #tpu.memory_space<semaphore_mem>>)
    %dma_start3A_32 = arith.constant 2 : i32
    %dma_start3A_33 = arith.constant 2 : i32
    %dma_start3A_34 = arith.constant 2 : i32
    %dma_start3A_35 = arith.constant 0 : i32
    %dma_start3A_36 = arith.constant 0 : i32
    %dma_start3A_37 = tpu.memref_slice %arg6[%dma_start3A_33, %dma_start3A_35, %dma_start3A_36] : memref<8x50x32xf32, #tpu.memory_space<vmem>> -> memref<1x50x32xf32, #tpu.memory_space<vmem>>
    %dma_start3A_38 = tpu.memref_squeeze %dma_start3A_37 : memref<1x50x32xf32, #tpu.memory_space<vmem>> -> memref<50x32xf32, #tpu.memory_space<vmem>>
    %dma_start3A_39 = arith.constant 0 : i32
    %dma_start3A_40 = tpu.memref_slice %arg5[%dma_start3A_32, %dma_start3A_39] : memref<512x50xi32, #tpu.memory_space<vmem>> -> memref<1x50xi32, #tpu.memory_space<vmem>>
    %dma_start3A_41 = tpu.memref_squeeze %dma_start3A_40 : memref<1x50xi32, #tpu.memory_space<vmem>> -> memref<50xi32, #tpu.memory_space<vmem>>
    %dma_start3A_42 = arith.constant 0 : i32
    %dma_start3A_43 = arith.constant 0 : i32
    %dma_start3A_44 = tpu.memref_slice %arg2[%dma_start3A_42, %dma_start3A_43] : memref<1000000x32xf32, #tpu.memory_space<hbm>> -> memref<1000000x32xf32, #tpu.memory_space<hbm>>
    %dma_start3A_45 = tpu.memref_slice %arg7[%dma_start3A_34] : memref<8x!tpu.dma_semaphore, #tpu.memory_space<semaphore_mem>> -> memref<1x!tpu.dma_semaphore, #tpu.memory_space<semaphore_mem>>
    %dma_start3A_46 = tpu.memref_squeeze %dma_start3A_45 : memref<1x!tpu.dma_semaphore, #tpu.memory_space<semaphore_mem>> -> memref<!tpu.dma_semaphore, #tpu.memory_space<semaphore_mem>>
    tpu.enqueue_indirect_dma source(%dma_start3A_44 : memref<1000000x32xf32, #tpu.memory_space<hbm>>) target(%dma_start3A_38 : memref<50x32xf32, #tpu.memory_space<vmem>>) offsets(%dma_start3A_41 : memref<50xi32, #tpu.memory_space<vmem>>) semaphore(%dma_start3A_46 : memref<!tpu.dma_semaphore, #tpu.memory_space<semaphore_mem>>)
    %dma_start3A_47 = arith.constant 3 : i32
    %dma_start3A_48 = arith.constant 3 : i32
    %dma_start3A_49 = arith.constant 3 : i32
    %dma_start3A_50 = arith.constant 0 : i32
    %dma_start3A_51 = arith.constant 0 : i32
    %dma_start3A_52 = tpu.memref_slice %arg6[%dma_start3A_48, %dma_start3A_50, %dma_start3A_51] : memref<8x50x32xf32, #tpu.memory_space<vmem>> -> memref<1x50x32xf32, #tpu.memory_space<vmem>>
    %dma_start3A_53 = tpu.memref_squeeze %dma_start3A_52 : memref<1x50x32xf32, #tpu.memory_space<vmem>> -> memref<50x32xf32, #tpu.memory_space<vmem>>
    %dma_start3A_54 = arith.constant 0 : i32
    %dma_start3A_55 = tpu.memref_slice %arg5[%dma_start3A_47, %dma_start3A_54] : memref<512x50xi32, #tpu.memory_space<vmem>> -> memref<1x50xi32, #tpu.memory_space<vmem>>
    %dma_start3A_56 = tpu.memref_squeeze %dma_start3A_55 : memref<1x50xi32, #tpu.memory_space<vmem>> -> memref<50xi32, #tpu.memory_space<vmem>>
    %dma_start3A_57 = arith.constant 0 : i32
    %dma_start3A_58 = arith.constant 0 : i32
    %dma_start3A_59 = tpu.memref_slice %arg2[%dma_start3A_57, %dma_start3A_58] : memref<1000000x32xf32, #tpu.memory_space<hbm>> -> memref<1000000x32xf32, #tpu.memory_space<hbm>>
    %dma_start3A_60 = tpu.memref_slice %arg7[%dma_start3A_49] : memref<8x!tpu.dma_semaphore, #tpu.memory_space<semaphore_mem>> -> memref<1x!tpu.dma_semaphore, #tpu.memory_space<semaphore_mem>>
    %dma_start3A_61 = tpu.memref_squeeze %dma_start3A_60 : memref<1x!tpu.dma_semaphore, #tpu.memory_space<semaphore_mem>> -> memref<!tpu.dma_semaphore, #tpu.memory_space<semaphore_mem>>
    tpu.enqueue_indirect_dma source(%dma_start3A_59 : memref<1000000x32xf32, #tpu.memory_space<hbm>>) target(%dma_start3A_53 : memref<50x32xf32, #tpu.memory_space<vmem>>) offsets(%dma_start3A_56 : memref<50xi32, #tpu.memory_space<vmem>>) semaphore(%dma_start3A_61 : memref<!tpu.dma_semaphore, #tpu.memory_space<semaphore_mem>>)
    %dma_start3A_62 = arith.constant 4 : i32
    %dma_start3A_63 = arith.constant 4 : i32
    %dma_start3A_64 = arith.constant 4 : i32
    %dma_start3A_65 = arith.constant 0 : i32
    %dma_start3A_66 = arith.constant 0 : i32
    %dma_start3A_67 = tpu.memref_slice %arg6[%dma_start3A_63, %dma_start3A_65, %dma_start3A_66] : memref<8x50x32xf32, #tpu.memory_space<vmem>> -> memref<1x50x32xf32, #tpu.memory_space<vmem>>
    %dma_start3A_68 = tpu.memref_squeeze %dma_start3A_67 : memref<1x50x32xf32, #tpu.memory_space<vmem>> -> memref<50x32xf32, #tpu.memory_space<vmem>>
    %dma_start3A_69 = arith.constant 0 : i32
    %dma_start3A_70 = tpu.memref_slice %arg5[%dma_start3A_62, %dma_start3A_69] : memref<512x50xi32, #tpu.memory_space<vmem>> -> memref<1x50xi32, #tpu.memory_space<vmem>>
    %dma_start3A_71 = tpu.memref_squeeze %dma_start3A_70 : memref<1x50xi32, #tpu.memory_space<vmem>> -> memref<50xi32, #tpu.memory_space<vmem>>
    %dma_start3A_72 = arith.constant 0 : i32
    %dma_start3A_73 = arith.constant 0 : i32
    %dma_start3A_74 = tpu.memref_slice %arg2[%dma_start3A_72, %dma_start3A_73] : memref<1000000x32xf32, #tpu.memory_space<hbm>> -> memref<1000000x32xf32, #tpu.memory_space<hbm>>
    %dma_start3A_75 = tpu.memref_slice %arg7[%dma_start3A_64] : memref<8x!tpu.dma_semaphore, #tpu.memory_space<semaphore_mem>> -> memref<1x!tpu.dma_semaphore, #tpu.memory_space<semaphore_mem>>
    %dma_start3A_76 = tpu.memref_squeeze %dma_start3A_75 : memref<1x!tpu.dma_semaphore, #tpu.memory_space<semaphore_mem>> -> memref<!tpu.dma_semaphore, #tpu.memory_space<semaphore_mem>>
    tpu.enqueue_indirect_dma source(%dma_start3A_74 : memref<1000000x32xf32, #tpu.memory_space<hbm>>) target(%dma_start3A_68 : memref<50x32xf32, #tpu.memory_space<vmem>>) offsets(%dma_start3A_71 : memref<50xi32, #tpu.memory_space<vmem>>) semaphore(%dma_start3A_76 : memref<!tpu.dma_semaphore, #tpu.memory_space<semaphore_mem>>)
    %dma_start3A_77 = arith.constant 5 : i32
    %dma_start3A_78 = arith.constant 5 : i32
    %dma_start3A_79 = arith.constant 5 : i32
    %dma_start3A_80 = arith.constant 0 : i32
    %dma_start3A_81 = arith.constant 0 : i32
    %dma_start3A_82 = tpu.memref_slice %arg6[%dma_start3A_78, %dma_start3A_80, %dma_start3A_81] : memref<8x50x32xf32, #tpu.memory_space<vmem>> -> memref<1x50x32xf32, #tpu.memory_space<vmem>>
    %dma_start3A_83 = tpu.memref_squeeze %dma_start3A_82 : memref<1x50x32xf32, #tpu.memory_space<vmem>> -> memref<50x32xf32, #tpu.memory_space<vmem>>
    %dma_start3A_84 = arith.constant 0 : i32
    %dma_start3A_85 = tpu.memref_slice %arg5[%dma_start3A_77, %dma_start3A_84] : memref<512x50xi32, #tpu.memory_space<vmem>> -> memref<1x50xi32, #tpu.memory_space<vmem>>
    %dma_start3A_86 = tpu.memref_squeeze %dma_start3A_85 : memref<1x50xi32, #tpu.memory_space<vmem>> -> memref<50xi32, #tpu.memory_space<vmem>>
    %dma_start3A_87 = arith.constant 0 : i32
    %dma_start3A_88 = arith.constant 0 : i32
    %dma_start3A_89 = tpu.memref_slice %arg2[%dma_start3A_87, %dma_start3A_88] : memref<1000000x32xf32, #tpu.memory_space<hbm>> -> memref<1000000x32xf32, #tpu.memory_space<hbm>>
    %dma_start3A_90 = tpu.memref_slice %arg7[%dma_start3A_79] : memref<8x!tpu.dma_semaphore, #tpu.memory_space<semaphore_mem>> -> memref<1x!tpu.dma_semaphore, #tpu.memory_space<semaphore_mem>>
    %dma_start3A_91 = tpu.memref_squeeze %dma_start3A_90 : memref<1x!tpu.dma_semaphore, #tpu.memory_space<semaphore_mem>> -> memref<!tpu.dma_semaphore, #tpu.memory_space<semaphore_mem>>
    tpu.enqueue_indirect_dma source(%dma_start3A_89 : memref<1000000x32xf32, #tpu.memory_space<hbm>>) target(%dma_start3A_83 : memref<50x32xf32, #tpu.memory_space<vmem>>) offsets(%dma_start3A_86 : memref<50xi32, #tpu.memory_space<vmem>>) semaphore(%dma_start3A_91 : memref<!tpu.dma_semaphore, #tpu.memory_space<semaphore_mem>>)
    %dma_start3A_92 = arith.constant 6 : i32
    %dma_start3A_93 = arith.constant 6 : i32
    %dma_start3A_94 = arith.constant 6 : i32
    %dma_start3A_95 = arith.constant 0 : i32
    %dma_start3A_96 = arith.constant 0 : i32
    %dma_start3A_97 = tpu.memref_slice %arg6[%dma_start3A_93, %dma_start3A_95, %dma_start3A_96] : memref<8x50x32xf32, #tpu.memory_space<vmem>> -> memref<1x50x32xf32, #tpu.memory_space<vmem>>
    %dma_start3A_98 = tpu.memref_squeeze %dma_start3A_97 : memref<1x50x32xf32, #tpu.memory_space<vmem>> -> memref<50x32xf32, #tpu.memory_space<vmem>>
    %dma_start3A_99 = arith.constant 0 : i32
    %dma_start3A_100 = tpu.memref_slice %arg5[%dma_start3A_92, %dma_start3A_99] : memref<512x50xi32, #tpu.memory_space<vmem>> -> memref<1x50xi32, #tpu.memory_space<vmem>>
    %dma_start3A_101 = tpu.memref_squeeze %dma_start3A_100 : memref<1x50xi32, #tpu.memory_space<vmem>> -> memref<50xi32, #tpu.memory_space<vmem>>
    %dma_start3A_102 = arith.constant 0 : i32
    %dma_start3A_103 = arith.constant 0 : i32
    %dma_start3A_104 = tpu.memref_slice %arg2[%dma_start3A_102, %dma_start3A_103] : memref<1000000x32xf32, #tpu.memory_space<hbm>> -> memref<1000000x32xf32, #tpu.memory_space<hbm>>
    %dma_start3A_105 = tpu.memref_slice %arg7[%dma_start3A_94] : memref<8x!tpu.dma_semaphore, #tpu.memory_space<semaphore_mem>> -> memref<1x!tpu.dma_semaphore, #tpu.memory_space<semaphore_mem>>
    %dma_start3A_106 = tpu.memref_squeeze %dma_start3A_105 : memref<1x!tpu.dma_semaphore, #tpu.memory_space<semaphore_mem>> -> memref<!tpu.dma_semaphore, #tpu.memory_space<semaphore_mem>>
    tpu.enqueue_indirect_dma source(%dma_start3A_104 : memref<1000000x32xf32, #tpu.memory_space<hbm>>) target(%dma_start3A_98 : memref<50x32xf32, #tpu.memory_space<vmem>>) offsets(%dma_start3A_101 : memref<50xi32, #tpu.memory_space<vmem>>) semaphore(%dma_start3A_106 : memref<!tpu.dma_semaphore, #tpu.memory_space<semaphore_mem>>)
    %dma_start3A_107 = arith.constant 7 : i32
    %dma_start3A_108 = arith.constant 7 : i32
    %dma_start3A_109 = arith.constant 7 : i32
    %dma_start3A_110 = arith.constant 0 : i32
    %dma_start3A_111 = arith.constant 0 : i32
    %dma_start3A_112 = tpu.memref_slice %arg6[%dma_start3A_108, %dma_start3A_110, %dma_start3A_111] : memref<8x50x32xf32, #tpu.memory_space<vmem>> -> memref<1x50x32xf32, #tpu.memory_space<vmem>>
    %dma_start3A_113 = tpu.memref_squeeze %dma_start3A_112 : memref<1x50x32xf32, #tpu.memory_space<vmem>> -> memref<50x32xf32, #tpu.memory_space<vmem>>
    %dma_start3A_114 = arith.constant 0 : i32
    %dma_start3A_115 = tpu.memref_slice %arg5[%dma_start3A_107, %dma_start3A_114] : memref<512x50xi32, #tpu.memory_space<vmem>> -> memref<1x50xi32, #tpu.memory_space<vmem>>
    %dma_start3A_116 = tpu.memref_squeeze %dma_start3A_115 : memref<1x50xi32, #tpu.memory_space<vmem>> -> memref<50xi32, #tpu.memory_space<vmem>>
    %dma_start3A_117 = arith.constant 0 : i32
    %dma_start3A_118 = arith.constant 0 : i32
    %dma_start3A_119 = tpu.memref_slice %arg2[%dma_start3A_117, %dma_start3A_118] : memref<1000000x32xf32, #tpu.memory_space<hbm>> -> memref<1000000x32xf32, #tpu.memory_space<hbm>>
    %dma_start3A_120 = tpu.memref_slice %arg7[%dma_start3A_109] : memref<8x!tpu.dma_semaphore, #tpu.memory_space<semaphore_mem>> -> memref<1x!tpu.dma_semaphore, #tpu.memory_space<semaphore_mem>>
    %dma_start3A_121 = tpu.memref_squeeze %dma_start3A_120 : memref<1x!tpu.dma_semaphore, #tpu.memory_space<semaphore_mem>> -> memref<!tpu.dma_semaphore, #tpu.memory_space<semaphore_mem>>
    tpu.enqueue_indirect_dma source(%dma_start3A_119 : memref<1000000x32xf32, #tpu.memory_space<hbm>>) target(%dma_start3A_113 : memref<50x32xf32, #tpu.memory_space<vmem>>) offsets(%dma_start3A_116 : memref<50xi32, #tpu.memory_space<vmem>>) semaphore(%dma_start3A_121 : memref<!tpu.dma_semaphore, #tpu.memory_space<semaphore_mem>>)
    %scan3A = arith.constant 0 : i32
    %scan3A_122 = arith.constant 0 : i32
    %scan3A_123 = arith.constant 64 : i32
    %scan3A_124 = arith.addi %scan3A_122, %scan3A_123 : i32
    %scan3A_125 = arith.constant 1 : i32
    scf.for %scan3A_302 = %scan3A_122 to %scan3A_124 step %scan3A_125  : i32 {
      %mul3A_303 = arith.constant 8 : i32
      %mul3A_304 = arith.muli %scan3A_302, %mul3A_303 : i32
      %add3A_305 = arith.constant 0 : i32
      %add3A_306 = arith.addi %mul3A_304, %add3A_305 : i32
      %dma_wait3A_307 = arith.constant 0 : i32
      %dma_wait3A_308 = arith.constant 0 : i32
      %dma_wait3A_309 = arith.constant 0 : i32
      %dma_wait3A_310 = arith.constant 0 : i32
      %dma_wait3A_311 = tpu.memref_slice %arg6[%dma_wait3A_307, %dma_wait3A_309, %dma_wait3A_310] : memref<8x50x32xf32, #tpu.memory_space<vmem>> -> memref<1x50x32xf32, #tpu.memory_space<vmem>>
      %dma_wait3A_312 = tpu.memref_squeeze %dma_wait3A_311 : memref<1x50x32xf32, #tpu.memory_space<vmem>> -> memref<50x32xf32, #tpu.memory_space<vmem>>
      %dma_wait3A_313 = arith.constant 0 : i32
      %dma_wait3A_314 = tpu.memref_slice %arg5[%add3A_306, %dma_wait3A_313] : memref<512x50xi32, #tpu.memory_space<vmem>> -> memref<1x50xi32, #tpu.memory_space<vmem>>
      %dma_wait3A_315 = tpu.memref_squeeze %dma_wait3A_314 : memref<1x50xi32, #tpu.memory_space<vmem>> -> memref<50xi32, #tpu.memory_space<vmem>>
      %dma_wait3A_316 = arith.constant 0 : i32
      %dma_wait3A_317 = arith.constant 0 : i32
      %dma_wait3A_318 = tpu.memref_slice %arg2[%dma_wait3A_316, %dma_wait3A_317] : memref<1000000x32xf32, #tpu.memory_space<hbm>> -> memref<1000000x32xf32, #tpu.memory_space<hbm>>
      %dma_wait3A_319 = tpu.memref_slice %arg7[%dma_wait3A_308] : memref<8x!tpu.dma_semaphore, #tpu.memory_space<semaphore_mem>> -> memref<1x!tpu.dma_semaphore, #tpu.memory_space<semaphore_mem>>
      %dma_wait3A_320 = tpu.memref_squeeze %dma_wait3A_319 : memref<1x!tpu.dma_semaphore, #tpu.memory_space<semaphore_mem>> -> memref<!tpu.dma_semaphore, #tpu.memory_space<semaphore_mem>>
      tpu.wait_indirect_dma semaphore(%dma_wait3A_320 : memref<!tpu.dma_semaphore, #tpu.memory_space<semaphore_mem>>) src(%dma_wait3A_318 : memref<1000000x32xf32, #tpu.memory_space<hbm>>) dst(%dma_wait3A_312 : memref<50x32xf32, #tpu.memory_space<vmem>>)
      %add3A_321 = arith.addi %multiple_of3A, %add3A_306 : i32
      %dma_start3A_322 = arith.constant 0 : i32
      %dma_start3A_323 = arith.constant 0 : i32
      %dma_start3A_324 = arith.constant 0 : i32
      %dma_start3A_325 = arith.constant 0 : i32
      %dma_start3A_326 = tpu.memref_slice %arg6[%dma_start3A_322, %dma_start3A_324, %dma_start3A_325] : memref<8x50x32xf32, #tpu.memory_space<vmem>> -> memref<1x50x32xf32, #tpu.memory_space<vmem>>
      %dma_start3A_327 = tpu.memref_squeeze %dma_start3A_326 : memref<1x50x32xf32, #tpu.memory_space<vmem>> -> memref<50x32xf32, #tpu.memory_space<vmem>>
      %dma_start3A_328 = arith.constant 0 : i32
      %dma_start3A_329 = arith.constant 0 : i32
      %dma_start3A_330 = tpu.memref_slice %arg4[%add3A_321, %dma_start3A_328, %dma_start3A_329] : memref<16384x50x32xf32, #tpu.memory_space<hbm>> -> memref<1x50x32xf32, #tpu.memory_space<hbm>>
      %dma_start3A_331 = tpu.memref_squeeze %dma_start3A_330 : memref<1x50x32xf32, #tpu.memory_space<hbm>> -> memref<50x32xf32, #tpu.memory_space<hbm>>
      %dma_start3A_332 = tpu.memref_slice %arg8[%dma_start3A_323] : memref<8x!tpu.dma_semaphore, #tpu.memory_space<semaphore_mem>> -> memref<1x!tpu.dma_semaphore, #tpu.memory_space<semaphore_mem>>
      %dma_start3A_333 = tpu.memref_squeeze %dma_start3A_332 : memref<1x!tpu.dma_semaphore, #tpu.memory_space<semaphore_mem>> -> memref<!tpu.dma_semaphore, #tpu.memory_space<semaphore_mem>>
      %dma_start3A_334 = arith.constant 0 : i32
      %dma_start3A_335 = arith.constant 0 : i32
      %dma_start3A_336 = tpu.memref_slice %arg4[%add3A_321, %dma_start3A_334, %dma_start3A_335] : memref<16384x50x32xf32, #tpu.memory_space<hbm>> -> memref<1x50x32xf32, #tpu.memory_space<hbm>>
      %dma_start3A_337 = tpu.memref_squeeze %dma_start3A_336 : memref<1x50x32xf32, #tpu.memory_space<hbm>> -> memref<50x32xf32, #tpu.memory_space<hbm>>
      %dma_start3A_338 = arith.constant 0 : i32
      %dma_start3A_339 = arith.constant 0 : i32
      %dma_start3A_340 = tpu.memref_slice %arg6[%dma_start3A_322, %dma_start3A_338, %dma_start3A_339] : memref<8x50x32xf32, #tpu.memory_space<vmem>> -> memref<1x50x32xf32, #tpu.memory_space<vmem>>
      %dma_start3A_341 = tpu.memref_squeeze %dma_start3A_340 : memref<1x50x32xf32, #tpu.memory_space<vmem>> -> memref<50x32xf32, #tpu.memory_space<vmem>>
      tpu.enqueue_dma source(%dma_start3A_341 : memref<50x32xf32, #tpu.memory_space<vmem>>) target(%dma_start3A_337 : memref<50x32xf32, #tpu.memory_space<hbm>>) target_semaphore(%dma_start3A_333 : memref<!tpu.dma_semaphore, #tpu.memory_space<semaphore_mem>>)
      %mul3A_342 = arith.constant 8 : i32
      %mul3A_343 = arith.muli %scan3A_302, %mul3A_342 : i32
      %add3A_344 = arith.constant 1 : i32
      %add3A_345 = arith.addi %mul3A_343, %add3A_344 : i32
      %dma_wait3A_346 = arith.constant 1 : i32
      %dma_wait3A_347 = arith.constant 1 : i32
      %dma_wait3A_348 = arith.constant 0 : i32
      %dma_wait3A_349 = arith.constant 0 : i32
      %dma_wait3A_350 = tpu.memref_slice %arg6[%dma_wait3A_346, %dma_wait3A_348, %dma_wait3A_349] : memref<8x50x32xf32, #tpu.memory_space<vmem>> -> memref<1x50x32xf32, #tpu.memory_space<vmem>>
      %dma_wait3A_351 = tpu.memref_squeeze %dma_wait3A_350 : memref<1x50x32xf32, #tpu.memory_space<vmem>> -> memref<50x32xf32, #tpu.memory_space<vmem>>
      %dma_wait3A_352 = arith.constant 0 : i32
      %dma_wait3A_353 = tpu.memref_slice %arg5[%add3A_345, %dma_wait3A_352] : memref<512x50xi32, #tpu.memory_space<vmem>> -> memref<1x50xi32, #tpu.memory_space<vmem>>
      %dma_wait3A_354 = tpu.memref_squeeze %dma_wait3A_353 : memref<1x50xi32, #tpu.memory_space<vmem>> -> memref<50xi32, #tpu.memory_space<vmem>>
      %dma_wait3A_355 = arith.constant 0 : i32
      %dma_wait3A_356 = arith.constant 0 : i32
      %dma_wait3A_357 = tpu.memref_slice %arg2[%dma_wait3A_355, %dma_wait3A_356] : memref<1000000x32xf32, #tpu.memory_space<hbm>> -> memref<1000000x32xf32, #tpu.memory_space<hbm>>
      %dma_wait3A_358 = tpu.memref_slice %arg7[%dma_wait3A_347] : memref<8x!tpu.dma_semaphore, #tpu.memory_space<semaphore_mem>> -> memref<1x!tpu.dma_semaphore, #tpu.memory_space<semaphore_mem>>
      %dma_wait3A_359 = tpu.memref_squeeze %dma_wait3A_358 : memref<1x!tpu.dma_semaphore, #tpu.memory_space<semaphore_mem>> -> memref<!tpu.dma_semaphore, #tpu.memory_space<semaphore_mem>>
      tpu.wait_indirect_dma semaphore(%dma_wait3A_359 : memref<!tpu.dma_semaphore, #tpu.memory_space<semaphore_mem>>) src(%dma_wait3A_357 : memref<1000000x32xf32, #tpu.memory_space<hbm>>) dst(%dma_wait3A_351 : memref<50x32xf32, #tpu.memory_space<vmem>>)
      %add3A_360 = arith.addi %multiple_of3A, %add3A_345 : i32
      %dma_start3A_361 = arith.constant 1 : i32
      %dma_start3A_362 = arith.constant 1 : i32
      %dma_start3A_363 = arith.constant 0 : i32
      %dma_start3A_364 = arith.constant 0 : i32
      %dma_start3A_365 = tpu.memref_slice %arg6[%dma_start3A_361, %dma_start3A_363, %dma_start3A_364] : memref<8x50x32xf32, #tpu.memory_space<vmem>> -> memref<1x50x32xf32, #tpu.memory_space<vmem>>
      %dma_start3A_366 = tpu.memref_squeeze %dma_start3A_365 : memref<1x50x32xf32, #tpu.memory_space<vmem>> -> memref<50x32xf32, #tpu.memory_space<vmem>>
      %dma_start3A_367 = arith.constant 0 : i32
      %dma_start3A_368 = arith.constant 0 : i32
      %dma_start3A_369 = tpu.memref_slice %arg4[%add3A_360, %dma_start3A_367, %dma_start3A_368] : memref<16384x50x32xf32, #tpu.memory_space<hbm>> -> memref<1x50x32xf32, #tpu.memory_space<hbm>>
      %dma_start3A_370 = tpu.memref_squeeze %dma_start3A_369 : memref<1x50x32xf32, #tpu.memory_space<hbm>> -> memref<50x32xf32, #tpu.memory_space<hbm>>
      %dma_start3A_371 = tpu.memref_slice %arg8[%dma_start3A_362] : memref<8x!tpu.dma_semaphore, #tpu.memory_space<semaphore_mem>> -> memref<1x!tpu.dma_semaphore, #tpu.memory_space<semaphore_mem>>
      %dma_start3A_372 = tpu.memref_squeeze %dma_start3A_371 : memref<1x!tpu.dma_semaphore, #tpu.memory_space<semaphore_mem>> -> memref<!tpu.dma_semaphore, #tpu.memory_space<semaphore_mem>>
      %dma_start3A_373 = arith.constant 0 : i32
      %dma_start3A_374 = arith.constant 0 : i32
      %dma_start3A_375 = tpu.memref_slice %arg4[%add3A_360, %dma_start3A_373, %dma_start3A_374] : memref<16384x50x32xf32, #tpu.memory_space<hbm>> -> memref<1x50x32xf32, #tpu.memory_space<hbm>>
      %dma_start3A_376 = tpu.memref_squeeze %dma_start3A_375 : memref<1x50x32xf32, #tpu.memory_space<hbm>> -> memref<50x32xf32, #tpu.memory_space<hbm>>
      %dma_start3A_377 = arith.constant 0 : i32
      %dma_start3A_378 = arith.constant 0 : i32
      %dma_start3A_379 = tpu.memref_slice %arg6[%dma_start3A_361, %dma_start3A_377, %dma_start3A_378] : memref<8x50x32xf32, #tpu.memory_space<vmem>> -> memref<1x50x32xf32, #tpu.memory_space<vmem>>
      %dma_start3A_380 = tpu.memref_squeeze %dma_start3A_379 : memref<1x50x32xf32, #tpu.memory_space<vmem>> -> memref<50x32xf32, #tpu.memory_space<vmem>>
      tpu.enqueue_dma source(%dma_start3A_380 : memref<50x32xf32, #tpu.memory_space<vmem>>) target(%dma_start3A_376 : memref<50x32xf32, #tpu.memory_space<hbm>>) target_semaphore(%dma_start3A_372 : memref<!tpu.dma_semaphore, #tpu.memory_space<semaphore_mem>>)
      %mul3A_381 = arith.constant 8 : i32
      %mul3A_382 = arith.muli %scan3A_302, %mul3A_381 : i32
      %add3A_383 = arith.constant 2 : i32
      %add3A_384 = arith.addi %mul3A_382, %add3A_383 : i32
      %dma_wait3A_385 = arith.constant 2 : i32
      %dma_wait3A_386 = arith.constant 2 : i32
      %dma_wait3A_387 = arith.constant 0 : i32
      %dma_wait3A_388 = arith.constant 0 : i32
      %dma_wait3A_389 = tpu.memref_slice %arg6[%dma_wait3A_385, %dma_wait3A_387, %dma_wait3A_388] : memref<8x50x32xf32, #tpu.memory_space<vmem>> -> memref<1x50x32xf32, #tpu.memory_space<vmem>>
      %dma_wait3A_390 = tpu.memref_squeeze %dma_wait3A_389 : memref<1x50x32xf32, #tpu.memory_space<vmem>> -> memref<50x32xf32, #tpu.memory_space<vmem>>
      %dma_wait3A_391 = arith.constant 0 : i32
      %dma_wait3A_392 = tpu.memref_slice %arg5[%add3A_384, %dma_wait3A_391] : memref<512x50xi32, #tpu.memory_space<vmem>> -> memref<1x50xi32, #tpu.memory_space<vmem>>
      %dma_wait3A_393 = tpu.memref_squeeze %dma_wait3A_392 : memref<1x50xi32, #tpu.memory_space<vmem>> -> memref<50xi32, #tpu.memory_space<vmem>>
      %dma_wait3A_394 = arith.constant 0 : i32
      %dma_wait3A_395 = arith.constant 0 : i32
      %dma_wait3A_396 = tpu.memref_slice %arg2[%dma_wait3A_394, %dma_wait3A_395] : memref<1000000x32xf32, #tpu.memory_space<hbm>> -> memref<1000000x32xf32, #tpu.memory_space<hbm>>
      %dma_wait3A_397 = tpu.memref_slice %arg7[%dma_wait3A_386] : memref<8x!tpu.dma_semaphore, #tpu.memory_space<semaphore_mem>> -> memref<1x!tpu.dma_semaphore, #tpu.memory_space<semaphore_mem>>
      %dma_wait3A_398 = tpu.memref_squeeze %dma_wait3A_397 : memref<1x!tpu.dma_semaphore, #tpu.memory_space<semaphore_mem>> -> memref<!tpu.dma_semaphore, #tpu.memory_space<semaphore_mem>>
      tpu.wait_indirect_dma semaphore(%dma_wait3A_398 : memref<!tpu.dma_semaphore, #tpu.memory_space<semaphore_mem>>) src(%dma_wait3A_396 : memref<1000000x32xf32, #tpu.memory_space<hbm>>) dst(%dma_wait3A_390 : memref<50x32xf32, #tpu.memory_space<vmem>>)
      %add3A_399 = arith.addi %multiple_of3A, %add3A_384 : i32
      %dma_start3A_400 = arith.constant 2 : i32
      %dma_start3A_401 = arith.constant 2 : i32
      %dma_start3A_402 = arith.constant 0 : i32
      %dma_start3A_403 = arith.constant 0 : i32
      %dma_start3A_404 = tpu.memref_slice %arg6[%dma_start3A_400, %dma_start3A_402, %dma_start3A_403] : memref<8x50x32xf32, #tpu.memory_space<vmem>> -> memref<1x50x32xf32, #tpu.memory_space<vmem>>
      %dma_start3A_405 = tpu.memref_squeeze %dma_start3A_404 : memref<1x50x32xf32, #tpu.memory_space<vmem>> -> memref<50x32xf32, #tpu.memory_space<vmem>>
      %dma_start3A_406 = arith.constant 0 : i32
      %dma_start3A_407 = arith.constant 0 : i32
      %dma_start3A_408 = tpu.memref_slice %arg4[%add3A_399, %dma_start3A_406, %dma_start3A_407] : memref<16384x50x32xf32, #tpu.memory_space<hbm>> -> memref<1x50x32xf32, #tpu.memory_space<hbm>>
      %dma_start3A_409 = tpu.memref_squeeze %dma_start3A_408 : memref<1x50x32xf32, #tpu.memory_space<hbm>> -> memref<50x32xf32, #tpu.memory_space<hbm>>
      %dma_start3A_410 = tpu.memref_slice %arg8[%dma_start3A_401] : memref<8x!tpu.dma_semaphore, #tpu.memory_space<semaphore_mem>> -> memref<1x!tpu.dma_semaphore, #tpu.memory_space<semaphore_mem>>
      %dma_start3A_411 = tpu.memref_squeeze %dma_start3A_410 : memref<1x!tpu.dma_semaphore, #tpu.memory_space<semaphore_mem>> -> memref<!tpu.dma_semaphore, #tpu.memory_space<semaphore_mem>>
      %dma_start3A_412 = arith.constant 0 : i32
      %dma_start3A_413 = arith.constant 0 : i32
      %dma_start3A_414 = tpu.memref_slice %arg4[%add3A_399, %dma_start3A_412, %dma_start3A_413] : memref<16384x50x32xf32, #tpu.memory_space<hbm>> -> memref<1x50x32xf32, #tpu.memory_space<hbm>>
      %dma_start3A_415 = tpu.memref_squeeze %dma_start3A_414 : memref<1x50x32xf32, #tpu.memory_space<hbm>> -> memref<50x32xf32, #tpu.memory_space<hbm>>
      %dma_start3A_416 = arith.constant 0 : i32
      %dma_start3A_417 = arith.constant 0 : i32
      %dma_start3A_418 = tpu.memref_slice %arg6[%dma_start3A_400, %dma_start3A_416, %dma_start3A_417] : memref<8x50x32xf32, #tpu.memory_space<vmem>> -> memref<1x50x32xf32, #tpu.memory_space<vmem>>
      %dma_start3A_419 = tpu.memref_squeeze %dma_start3A_418 : memref<1x50x32xf32, #tpu.memory_space<vmem>> -> memref<50x32xf32, #tpu.memory_space<vmem>>
      tpu.enqueue_dma source(%dma_start3A_419 : memref<50x32xf32, #tpu.memory_space<vmem>>) target(%dma_start3A_415 : memref<50x32xf32, #tpu.memory_space<hbm>>) target_semaphore(%dma_start3A_411 : memref<!tpu.dma_semaphore, #tpu.memory_space<semaphore_mem>>)
      %mul3A_420 = arith.constant 8 : i32
      %mul3A_421 = arith.muli %scan3A_302, %mul3A_420 : i32
      %add3A_422 = arith.constant 3 : i32
      %add3A_423 = arith.addi %mul3A_421, %add3A_422 : i32
      %dma_wait3A_424 = arith.constant 3 : i32
      %dma_wait3A_425 = arith.constant 3 : i32
      %dma_wait3A_426 = arith.constant 0 : i32
      %dma_wait3A_427 = arith.constant 0 : i32
      %dma_wait3A_428 = tpu.memref_slice %arg6[%dma_wait3A_424, %dma_wait3A_426, %dma_wait3A_427] : memref<8x50x32xf32, #tpu.memory_space<vmem>> -> memref<1x50x32xf32, #tpu.memory_space<vmem>>
      %dma_wait3A_429 = tpu.memref_squeeze %dma_wait3A_428 : memref<1x50x32xf32, #tpu.memory_space<vmem>> -> memref<50x32xf32, #tpu.memory_space<vmem>>
      %dma_wait3A_430 = arith.constant 0 : i32
      %dma_wait3A_431 = tpu.memref_slice %arg5[%add3A_423, %dma_wait3A_430] : memref<512x50xi32, #tpu.memory_space<vmem>> -> memref<1x50xi32, #tpu.memory_space<vmem>>
      %dma_wait3A_432 = tpu.memref_squeeze %dma_wait3A_431 : memref<1x50xi32, #tpu.memory_space<vmem>> -> memref<50xi32, #tpu.memory_space<vmem>>
      %dma_wait3A_433 = arith.constant 0 : i32
      %dma_wait3A_434 = arith.constant 0 : i32
      %dma_wait3A_435 = tpu.memref_slice %arg2[%dma_wait3A_433, %dma_wait3A_434] : memref<1000000x32xf32, #tpu.memory_space<hbm>> -> memref<1000000x32xf32, #tpu.memory_space<hbm>>
      %dma_wait3A_436 = tpu.memref_slice %arg7[%dma_wait3A_425] : memref<8x!tpu.dma_semaphore, #tpu.memory_space<semaphore_mem>> -> memref<1x!tpu.dma_semaphore, #tpu.memory_space<semaphore_mem>>
      %dma_wait3A_437 = tpu.memref_squeeze %dma_wait3A_436 : memref<1x!tpu.dma_semaphore, #tpu.memory_space<semaphore_mem>> -> memref<!tpu.dma_semaphore, #tpu.memory_space<semaphore_mem>>
      tpu.wait_indirect_dma semaphore(%dma_wait3A_437 : memref<!tpu.dma_semaphore, #tpu.memory_space<semaphore_mem>>) src(%dma_wait3A_435 : memref<1000000x32xf32, #tpu.memory_space<hbm>>) dst(%dma_wait3A_429 : memref<50x32xf32, #tpu.memory_space<vmem>>)
      %add3A_438 = arith.addi %multiple_of3A, %add3A_423 : i32
      %dma_start3A_439 = arith.constant 3 : i32
      %dma_start3A_440 = arith.constant 3 : i32
      %dma_start3A_441 = arith.constant 0 : i32
      %dma_start3A_442 = arith.constant 0 : i32
      %dma_start3A_443 = tpu.memref_slice %arg6[%dma_start3A_439, %dma_start3A_441, %dma_start3A_442] : memref<8x50x32xf32, #tpu.memory_space<vmem>> -> memref<1x50x32xf32, #tpu.memory_space<vmem>>
      %dma_start3A_444 = tpu.memref_squeeze %dma_start3A_443 : memref<1x50x32xf32, #tpu.memory_space<vmem>> -> memref<50x32xf32, #tpu.memory_space<vmem>>
      %dma_start3A_445 = arith.constant 0 : i32
      %dma_start3A_446 = arith.constant 0 : i32
      %dma_start3A_447 = tpu.memref_slice %arg4[%add3A_438, %dma_start3A_445, %dma_start3A_446] : memref<16384x50x32xf32, #tpu.memory_space<hbm>> -> memref<1x50x32xf32, #tpu.memory_space<hbm>>
      %dma_start3A_448 = tpu.memref_squeeze %dma_start3A_447 : memref<1x50x32xf32, #tpu.memory_space<hbm>> -> memref<50x32xf32, #tpu.memory_space<hbm>>
      %dma_start3A_449 = tpu.memref_slice %arg8[%dma_start3A_440] : memref<8x!tpu.dma_semaphore, #tpu.memory_space<semaphore_mem>> -> memref<1x!tpu.dma_semaphore, #tpu.memory_space<semaphore_mem>>
      %dma_start3A_450 = tpu.memref_squeeze %dma_start3A_449 : memref<1x!tpu.dma_semaphore, #tpu.memory_space<semaphore_mem>> -> memref<!tpu.dma_semaphore, #tpu.memory_space<semaphore_mem>>
      %dma_start3A_451 = arith.constant 0 : i32
      %dma_start3A_452 = arith.constant 0 : i32
      %dma_start3A_453 = tpu.memref_slice %arg4[%add3A_438, %dma_start3A_451, %dma_start3A_452] : memref<16384x50x32xf32, #tpu.memory_space<hbm>> -> memref<1x50x32xf32, #tpu.memory_space<hbm>>
      %dma_start3A_454 = tpu.memref_squeeze %dma_start3A_453 : memref<1x50x32xf32, #tpu.memory_space<hbm>> -> memref<50x32xf32, #tpu.memory_space<hbm>>
      %dma_start3A_455 = arith.constant 0 : i32
      %dma_start3A_456 = arith.constant 0 : i32
      %dma_start3A_457 = tpu.memref_slice %arg6[%dma_start3A_439, %dma_start3A_455, %dma_start3A_456] : memref<8x50x32xf32, #tpu.memory_space<vmem>> -> memref<1x50x32xf32, #tpu.memory_space<vmem>>
      %dma_start3A_458 = tpu.memref_squeeze %dma_start3A_457 : memref<1x50x32xf32, #tpu.memory_space<vmem>> -> memref<50x32xf32, #tpu.memory_space<vmem>>
      tpu.enqueue_dma source(%dma_start3A_458 : memref<50x32xf32, #tpu.memory_space<vmem>>) target(%dma_start3A_454 : memref<50x32xf32, #tpu.memory_space<hbm>>) target_semaphore(%dma_start3A_450 : memref<!tpu.dma_semaphore, #tpu.memory_space<semaphore_mem>>)
      %mul3A_459 = arith.constant 8 : i32
      %mul3A_460 = arith.muli %scan3A_302, %mul3A_459 : i32
      %add3A_461 = arith.constant 4 : i32
      %add3A_462 = arith.addi %mul3A_460, %add3A_461 : i32
      %dma_wait3A_463 = arith.constant 4 : i32
      %dma_wait3A_464 = arith.constant 4 : i32
      %dma_wait3A_465 = arith.constant 0 : i32
      %dma_wait3A_466 = arith.constant 0 : i32
      %dma_wait3A_467 = tpu.memref_slice %arg6[%dma_wait3A_463, %dma_wait3A_465, %dma_wait3A_466] : memref<8x50x32xf32, #tpu.memory_space<vmem>> -> memref<1x50x32xf32, #tpu.memory_space<vmem>>
      %dma_wait3A_468 = tpu.memref_squeeze %dma_wait3A_467 : memref<1x50x32xf32, #tpu.memory_space<vmem>> -> memref<50x32xf32, #tpu.memory_space<vmem>>
      %dma_wait3A_469 = arith.constant 0 : i32
      %dma_wait3A_470 = tpu.memref_slice %arg5[%add3A_462, %dma_wait3A_469] : memref<512x50xi32, #tpu.memory_space<vmem>> -> memref<1x50xi32, #tpu.memory_space<vmem>>
      %dma_wait3A_471 = tpu.memref_squeeze %dma_wait3A_470 : memref<1x50xi32, #tpu.memory_space<vmem>> -> memref<50xi32, #tpu.memory_space<vmem>>
      %dma_wait3A_472 = arith.constant 0 : i32
      %dma_wait3A_473 = arith.constant 0 : i32
      %dma_wait3A_474 = tpu.memref_slice %arg2[%dma_wait3A_472, %dma_wait3A_473] : memref<1000000x32xf32, #tpu.memory_space<hbm>> -> memref<1000000x32xf32, #tpu.memory_space<hbm>>
      %dma_wait3A_475 = tpu.memref_slice %arg7[%dma_wait3A_464] : memref<8x!tpu.dma_semaphore, #tpu.memory_space<semaphore_mem>> -> memref<1x!tpu.dma_semaphore, #tpu.memory_space<semaphore_mem>>
      %dma_wait3A_476 = tpu.memref_squeeze %dma_wait3A_475 : memref<1x!tpu.dma_semaphore, #tpu.memory_space<semaphore_mem>> -> memref<!tpu.dma_semaphore, #tpu.memory_space<semaphore_mem>>
      tpu.wait_indirect_dma semaphore(%dma_wait3A_476 : memref<!tpu.dma_semaphore, #tpu.memory_space<semaphore_mem>>) src(%dma_wait3A_474 : memref<1000000x32xf32, #tpu.memory_space<hbm>>) dst(%dma_wait3A_468 : memref<50x32xf32, #tpu.memory_space<vmem>>)
      %add3A_477 = arith.addi %multiple_of3A, %add3A_462 : i32
      %dma_start3A_478 = arith.constant 4 : i32
      %dma_start3A_479 = arith.constant 4 : i32
      %dma_start3A_480 = arith.constant 0 : i32
      %dma_start3A_481 = arith.constant 0 : i32
      %dma_start3A_482 = tpu.memref_slice %arg6[%dma_start3A_478, %dma_start3A_480, %dma_start3A_481] : memref<8x50x32xf32, #tpu.memory_space<vmem>> -> memref<1x50x32xf32, #tpu.memory_space<vmem>>
      %dma_start3A_483 = tpu.memref_squeeze %dma_start3A_482 : memref<1x50x32xf32, #tpu.memory_space<vmem>> -> memref<50x32xf32, #tpu.memory_space<vmem>>
      %dma_start3A_484 = arith.constant 0 : i32
      %dma_start3A_485 = arith.constant 0 : i32
      %dma_start3A_486 = tpu.memref_slice %arg4[%add3A_477, %dma_start3A_484, %dma_start3A_485] : memref<16384x50x32xf32, #tpu.memory_space<hbm>> -> memref<1x50x32xf32, #tpu.memory_space<hbm>>
      %dma_start3A_487 = tpu.memref_squeeze %dma_start3A_486 : memref<1x50x32xf32, #tpu.memory_space<hbm>> -> memref<50x32xf32, #tpu.memory_space<hbm>>
      %dma_start3A_488 = tpu.memref_slice %arg8[%dma_start3A_479] : memref<8x!tpu.dma_semaphore, #tpu.memory_space<semaphore_mem>> -> memref<1x!tpu.dma_semaphore, #tpu.memory_space<semaphore_mem>>
      %dma_start3A_489 = tpu.memref_squeeze %dma_start3A_488 : memref<1x!tpu.dma_semaphore, #tpu.memory_space<semaphore_mem>> -> memref<!tpu.dma_semaphore, #tpu.memory_space<semaphore_mem>>
      %dma_start3A_490 = arith.constant 0 : i32
      %dma_start3A_491 = arith.constant 0 : i32
      %dma_start3A_492 = tpu.memref_slice %arg4[%add3A_477, %dma_start3A_490, %dma_start3A_491] : memref<16384x50x32xf32, #tpu.memory_space<hbm>> -> memref<1x50x32xf32, #tpu.memory_space<hbm>>
      %dma_start3A_493 = tpu.memref_squeeze %dma_start3A_492 : memref<1x50x32xf32, #tpu.memory_space<hbm>> -> memref<50x32xf32, #tpu.memory_space<hbm>>
      %dma_start3A_494 = arith.constant 0 : i32
      %dma_start3A_495 = arith.constant 0 : i32
      %dma_start3A_496 = tpu.memref_slice %arg6[%dma_start3A_478, %dma_start3A_494, %dma_start3A_495] : memref<8x50x32xf32, #tpu.memory_space<vmem>> -> memref<1x50x32xf32, #tpu.memory_space<vmem>>
      %dma_start3A_497 = tpu.memref_squeeze %dma_start3A_496 : memref<1x50x32xf32, #tpu.memory_space<vmem>> -> memref<50x32xf32, #tpu.memory_space<vmem>>
      tpu.enqueue_dma source(%dma_start3A_497 : memref<50x32xf32, #tpu.memory_space<vmem>>) target(%dma_start3A_493 : memref<50x32xf32, #tpu.memory_space<hbm>>) target_semaphore(%dma_start3A_489 : memref<!tpu.dma_semaphore, #tpu.memory_space<semaphore_mem>>)
      %mul3A_498 = arith.constant 8 : i32
      %mul3A_499 = arith.muli %scan3A_302, %mul3A_498 : i32
      %add3A_500 = arith.constant 5 : i32
      %add3A_501 = arith.addi %mul3A_499, %add3A_500 : i32
      %dma_wait3A_502 = arith.constant 5 : i32
      %dma_wait3A_503 = arith.constant 5 : i32
      %dma_wait3A_504 = arith.constant 0 : i32
      %dma_wait3A_505 = arith.constant 0 : i32
      %dma_wait3A_506 = tpu.memref_slice %arg6[%dma_wait3A_502, %dma_wait3A_504, %dma_wait3A_505] : memref<8x50x32xf32, #tpu.memory_space<vmem>> -> memref<1x50x32xf32, #tpu.memory_space<vmem>>
      %dma_wait3A_507 = tpu.memref_squeeze %dma_wait3A_506 : memref<1x50x32xf32, #tpu.memory_space<vmem>> -> memref<50x32xf32, #tpu.memory_space<vmem>>
      %dma_wait3A_508 = arith.constant 0 : i32
      %dma_wait3A_509 = tpu.memref_slice %arg5[%add3A_501, %dma_wait3A_508] : memref<512x50xi32, #tpu.memory_space<vmem>> -> memref<1x50xi32, #tpu.memory_space<vmem>>
      %dma_wait3A_510 = tpu.memref_squeeze %dma_wait3A_509 : memref<1x50xi32, #tpu.memory_space<vmem>> -> memref<50xi32, #tpu.memory_space<vmem>>
      %dma_wait3A_511 = arith.constant 0 : i32
      %dma_wait3A_512 = arith.constant 0 : i32
      %dma_wait3A_513 = tpu.memref_slice %arg2[%dma_wait3A_511, %dma_wait3A_512] : memref<1000000x32xf32, #tpu.memory_space<hbm>> -> memref<1000000x32xf32, #tpu.memory_space<hbm>>
      %dma_wait3A_514 = tpu.memref_slice %arg7[%dma_wait3A_503] : memref<8x!tpu.dma_semaphore, #tpu.memory_space<semaphore_mem>> -> memref<1x!tpu.dma_semaphore, #tpu.memory_space<semaphore_mem>>
      %dma_wait3A_515 = tpu.memref_squeeze %dma_wait3A_514 : memref<1x!tpu.dma_semaphore, #tpu.memory_space<semaphore_mem>> -> memref<!tpu.dma_semaphore, #tpu.memory_space<semaphore_mem>>
      tpu.wait_indirect_dma semaphore(%dma_wait3A_515 : memref<!tpu.dma_semaphore, #tpu.memory_space<semaphore_mem>>) src(%dma_wait3A_513 : memref<1000000x32xf32, #tpu.memory_space<hbm>>) dst(%dma_wait3A_507 : memref<50x32xf32, #tpu.memory_space<vmem>>)
      %add3A_516 = arith.addi %multiple_of3A, %add3A_501 : i32
      %dma_start3A_517 = arith.constant 5 : i32
      %dma_start3A_518 = arith.constant 5 : i32
      %dma_start3A_519 = arith.constant 0 : i32
      %dma_start3A_520 = arith.constant 0 : i32
      %dma_start3A_521 = tpu.memref_slice %arg6[%dma_start3A_517, %dma_start3A_519, %dma_start3A_520] : memref<8x50x32xf32, #tpu.memory_space<vmem>> -> memref<1x50x32xf32, #tpu.memory_space<vmem>>
      %dma_start3A_522 = tpu.memref_squeeze %dma_start3A_521 : memref<1x50x32xf32, #tpu.memory_space<vmem>> -> memref<50x32xf32, #tpu.memory_space<vmem>>
      %dma_start3A_523 = arith.constant 0 : i32
      %dma_start3A_524 = arith.constant 0 : i32
      %dma_start3A_525 = tpu.memref_slice %arg4[%add3A_516, %dma_start3A_523, %dma_start3A_524] : memref<16384x50x32xf32, #tpu.memory_space<hbm>> -> memref<1x50x32xf32, #tpu.memory_space<hbm>>
      %dma_start3A_526 = tpu.memref_squeeze %dma_start3A_525 : memref<1x50x32xf32, #tpu.memory_space<hbm>> -> memref<50x32xf32, #tpu.memory_space<hbm>>
      %dma_start3A_527 = tpu.memref_slice %arg8[%dma_start3A_518] : memref<8x!tpu.dma_semaphore, #tpu.memory_space<semaphore_mem>> -> memref<1x!tpu.dma_semaphore, #tpu.memory_space<semaphore_mem>>
      %dma_start3A_528 = tpu.memref_squeeze %dma_start3A_527 : memref<1x!tpu.dma_semaphore, #tpu.memory_space<semaphore_mem>> -> memref<!tpu.dma_semaphore, #tpu.memory_space<semaphore_mem>>
      %dma_start3A_529 = arith.constant 0 : i32
      %dma_start3A_530 = arith.constant 0 : i32
      %dma_start3A_531 = tpu.memref_slice %arg4[%add3A_516, %dma_start3A_529, %dma_start3A_530] : memref<16384x50x32xf32, #tpu.memory_space<hbm>> -> memref<1x50x32xf32, #tpu.memory_space<hbm>>
      %dma_start3A_532 = tpu.memref_squeeze %dma_start3A_531 : memref<1x50x32xf32, #tpu.memory_space<hbm>> -> memref<50x32xf32, #tpu.memory_space<hbm>>
      %dma_start3A_533 = arith.constant 0 : i32
      %dma_start3A_534 = arith.constant 0 : i32
      %dma_start3A_535 = tpu.memref_slice %arg6[%dma_start3A_517, %dma_start3A_533, %dma_start3A_534] : memref<8x50x32xf32, #tpu.memory_space<vmem>> -> memref<1x50x32xf32, #tpu.memory_space<vmem>>
      %dma_start3A_536 = tpu.memref_squeeze %dma_start3A_535 : memref<1x50x32xf32, #tpu.memory_space<vmem>> -> memref<50x32xf32, #tpu.memory_space<vmem>>
      tpu.enqueue_dma source(%dma_start3A_536 : memref<50x32xf32, #tpu.memory_space<vmem>>) target(%dma_start3A_532 : memref<50x32xf32, #tpu.memory_space<hbm>>) target_semaphore(%dma_start3A_528 : memref<!tpu.dma_semaphore, #tpu.memory_space<semaphore_mem>>)
      %mul3A_537 = arith.constant 8 : i32
      %mul3A_538 = arith.muli %scan3A_302, %mul3A_537 : i32
      %add3A_539 = arith.constant 6 : i32
      %add3A_540 = arith.addi %mul3A_538, %add3A_539 : i32
      %dma_wait3A_541 = arith.constant 6 : i32
      %dma_wait3A_542 = arith.constant 6 : i32
      %dma_wait3A_543 = arith.constant 0 : i32
      %dma_wait3A_544 = arith.constant 0 : i32
      %dma_wait3A_545 = tpu.memref_slice %arg6[%dma_wait3A_541, %dma_wait3A_543, %dma_wait3A_544] : memref<8x50x32xf32, #tpu.memory_space<vmem>> -> memref<1x50x32xf32, #tpu.memory_space<vmem>>
      %dma_wait3A_546 = tpu.memref_squeeze %dma_wait3A_545 : memref<1x50x32xf32, #tpu.memory_space<vmem>> -> memref<50x32xf32, #tpu.memory_space<vmem>>
      %dma_wait3A_547 = arith.constant 0 : i32
      %dma_wait3A_548 = tpu.memref_slice %arg5[%add3A_540, %dma_wait3A_547] : memref<512x50xi32, #tpu.memory_space<vmem>> -> memref<1x50xi32, #tpu.memory_space<vmem>>
      %dma_wait3A_549 = tpu.memref_squeeze %dma_wait3A_548 : memref<1x50xi32, #tpu.memory_space<vmem>> -> memref<50xi32, #tpu.memory_space<vmem>>
      %dma_wait3A_550 = arith.constant 0 : i32
      %dma_wait3A_551 = arith.constant 0 : i32
      %dma_wait3A_552 = tpu.memref_slice %arg2[%dma_wait3A_550, %dma_wait3A_551] : memref<1000000x32xf32, #tpu.memory_space<hbm>> -> memref<1000000x32xf32, #tpu.memory_space<hbm>>
      %dma_wait3A_553 = tpu.memref_slice %arg7[%dma_wait3A_542] : memref<8x!tpu.dma_semaphore, #tpu.memory_space<semaphore_mem>> -> memref<1x!tpu.dma_semaphore, #tpu.memory_space<semaphore_mem>>
      %dma_wait3A_554 = tpu.memref_squeeze %dma_wait3A_553 : memref<1x!tpu.dma_semaphore, #tpu.memory_space<semaphore_mem>> -> memref<!tpu.dma_semaphore, #tpu.memory_space<semaphore_mem>>
      tpu.wait_indirect_dma semaphore(%dma_wait3A_554 : memref<!tpu.dma_semaphore, #tpu.memory_space<semaphore_mem>>) src(%dma_wait3A_552 : memref<1000000x32xf32, #tpu.memory_space<hbm>>) dst(%dma_wait3A_546 : memref<50x32xf32, #tpu.memory_space<vmem>>)
      %add3A_555 = arith.addi %multiple_of3A, %add3A_540 : i32
      %dma_start3A_556 = arith.constant 6 : i32
      %dma_start3A_557 = arith.constant 6 : i32
      %dma_start3A_558 = arith.constant 0 : i32
      %dma_start3A_559 = arith.constant 0 : i32
      %dma_start3A_560 = tpu.memref_slice %arg6[%dma_start3A_556, %dma_start3A_558, %dma_start3A_559] : memref<8x50x32xf32, #tpu.memory_space<vmem>> -> memref<1x50x32xf32, #tpu.memory_space<vmem>>
      %dma_start3A_561 = tpu.memref_squeeze %dma_start3A_560 : memref<1x50x32xf32, #tpu.memory_space<vmem>> -> memref<50x32xf32, #tpu.memory_space<vmem>>
      %dma_start3A_562 = arith.constant 0 : i32
      %dma_start3A_563 = arith.constant 0 : i32
      %dma_start3A_564 = tpu.memref_slice %arg4[%add3A_555, %dma_start3A_562, %dma_start3A_563] : memref<16384x50x32xf32, #tpu.memory_space<hbm>> -> memref<1x50x32xf32, #tpu.memory_space<hbm>>
      %dma_start3A_565 = tpu.memref_squeeze %dma_start3A_564 : memref<1x50x32xf32, #tpu.memory_space<hbm>> -> memref<50x32xf32, #tpu.memory_space<hbm>>
      %dma_start3A_566 = tpu.memref_slice %arg8[%dma_start3A_557] : memref<8x!tpu.dma_semaphore, #tpu.memory_space<semaphore_mem>> -> memref<1x!tpu.dma_semaphore, #tpu.memory_space<semaphore_mem>>
      %dma_start3A_567 = tpu.memref_squeeze %dma_start3A_566 : memref<1x!tpu.dma_semaphore, #tpu.memory_space<semaphore_mem>> -> memref<!tpu.dma_semaphore, #tpu.memory_space<semaphore_mem>>
      %dma_start3A_568 = arith.constant 0 : i32
      %dma_start3A_569 = arith.constant 0 : i32
      %dma_start3A_570 = tpu.memref_slice %arg4[%add3A_555, %dma_start3A_568, %dma_start3A_569] : memref<16384x50x32xf32, #tpu.memory_space<hbm>> -> memref<1x50x32xf32, #tpu.memory_space<hbm>>
      %dma_start3A_571 = tpu.memref_squeeze %dma_start3A_570 : memref<1x50x32xf32, #tpu.memory_space<hbm>> -> memref<50x32xf32, #tpu.memory_space<hbm>>
      %dma_start3A_572 = arith.constant 0 : i32
      %dma_start3A_573 = arith.constant 0 : i32
      %dma_start3A_574 = tpu.memref_slice %arg6[%dma_start3A_556, %dma_start3A_572, %dma_start3A_573] : memref<8x50x32xf32, #tpu.memory_space<vmem>> -> memref<1x50x32xf32, #tpu.memory_space<vmem>>
      %dma_start3A_575 = tpu.memref_squeeze %dma_start3A_574 : memref<1x50x32xf32, #tpu.memory_space<vmem>> -> memref<50x32xf32, #tpu.memory_space<vmem>>
      tpu.enqueue_dma source(%dma_start3A_575 : memref<50x32xf32, #tpu.memory_space<vmem>>) target(%dma_start3A_571 : memref<50x32xf32, #tpu.memory_space<hbm>>) target_semaphore(%dma_start3A_567 : memref<!tpu.dma_semaphore, #tpu.memory_space<semaphore_mem>>)
      %mul3A_576 = arith.constant 8 : i32
      %mul3A_577 = arith.muli %scan3A_302, %mul3A_576 : i32
      %add3A_578 = arith.constant 7 : i32
      %add3A_579 = arith.addi %mul3A_577, %add3A_578 : i32
      %dma_wait3A_580 = arith.constant 7 : i32
      %dma_wait3A_581 = arith.constant 7 : i32
      %dma_wait3A_582 = arith.constant 0 : i32
      %dma_wait3A_583 = arith.constant 0 : i32
      %dma_wait3A_584 = tpu.memref_slice %arg6[%dma_wait3A_580, %dma_wait3A_582, %dma_wait3A_583] : memref<8x50x32xf32, #tpu.memory_space<vmem>> -> memref<1x50x32xf32, #tpu.memory_space<vmem>>
      %dma_wait3A_585 = tpu.memref_squeeze %dma_wait3A_584 : memref<1x50x32xf32, #tpu.memory_space<vmem>> -> memref<50x32xf32, #tpu.memory_space<vmem>>
      %dma_wait3A_586 = arith.constant 0 : i32
      %dma_wait3A_587 = tpu.memref_slice %arg5[%add3A_579, %dma_wait3A_586] : memref<512x50xi32, #tpu.memory_space<vmem>> -> memref<1x50xi32, #tpu.memory_space<vmem>>
      %dma_wait3A_588 = tpu.memref_squeeze %dma_wait3A_587 : memref<1x50xi32, #tpu.memory_space<vmem>> -> memref<50xi32, #tpu.memory_space<vmem>>
      %dma_wait3A_589 = arith.constant 0 : i32
      %dma_wait3A_590 = arith.constant 0 : i32
      %dma_wait3A_591 = tpu.memref_slice %arg2[%dma_wait3A_589, %dma_wait3A_590] : memref<1000000x32xf32, #tpu.memory_space<hbm>> -> memref<1000000x32xf32, #tpu.memory_space<hbm>>
      %dma_wait3A_592 = tpu.memref_slice %arg7[%dma_wait3A_581] : memref<8x!tpu.dma_semaphore, #tpu.memory_space<semaphore_mem>> -> memref<1x!tpu.dma_semaphore, #tpu.memory_space<semaphore_mem>>
      %dma_wait3A_593 = tpu.memref_squeeze %dma_wait3A_592 : memref<1x!tpu.dma_semaphore, #tpu.memory_space<semaphore_mem>> -> memref<!tpu.dma_semaphore, #tpu.memory_space<semaphore_mem>>
      tpu.wait_indirect_dma semaphore(%dma_wait3A_593 : memref<!tpu.dma_semaphore, #tpu.memory_space<semaphore_mem>>) src(%dma_wait3A_591 : memref<1000000x32xf32, #tpu.memory_space<hbm>>) dst(%dma_wait3A_585 : memref<50x32xf32, #tpu.memory_space<vmem>>)
      %add3A_594 = arith.addi %multiple_of3A, %add3A_579 : i32
      %dma_start3A_595 = arith.constant 7 : i32
      %dma_start3A_596 = arith.constant 7 : i32
      %dma_start3A_597 = arith.constant 0 : i32
      %dma_start3A_598 = arith.constant 0 : i32
      %dma_start3A_599 = tpu.memref_slice %arg6[%dma_start3A_595, %dma_start3A_597, %dma_start3A_598] : memref<8x50x32xf32, #tpu.memory_space<vmem>> -> memref<1x50x32xf32, #tpu.memory_space<vmem>>
      %dma_start3A_600 = tpu.memref_squeeze %dma_start3A_599 : memref<1x50x32xf32, #tpu.memory_space<vmem>> -> memref<50x32xf32, #tpu.memory_space<vmem>>
      %dma_start3A_601 = arith.constant 0 : i32
      %dma_start3A_602 = arith.constant 0 : i32
      %dma_start3A_603 = tpu.memref_slice %arg4[%add3A_594, %dma_start3A_601, %dma_start3A_602] : memref<16384x50x32xf32, #tpu.memory_space<hbm>> -> memref<1x50x32xf32, #tpu.memory_space<hbm>>
      %dma_start3A_604 = tpu.memref_squeeze %dma_start3A_603 : memref<1x50x32xf32, #tpu.memory_space<hbm>> -> memref<50x32xf32, #tpu.memory_space<hbm>>
      %dma_start3A_605 = tpu.memref_slice %arg8[%dma_start3A_596] : memref<8x!tpu.dma_semaphore, #tpu.memory_space<semaphore_mem>> -> memref<1x!tpu.dma_semaphore, #tpu.memory_space<semaphore_mem>>
      %dma_start3A_606 = tpu.memref_squeeze %dma_start3A_605 : memref<1x!tpu.dma_semaphore, #tpu.memory_space<semaphore_mem>> -> memref<!tpu.dma_semaphore, #tpu.memory_space<semaphore_mem>>
      %dma_start3A_607 = arith.constant 0 : i32
      %dma_start3A_608 = arith.constant 0 : i32
      %dma_start3A_609 = tpu.memref_slice %arg4[%add3A_594, %dma_start3A_607, %dma_start3A_608] : memref<16384x50x32xf32, #tpu.memory_space<hbm>> -> memref<1x50x32xf32, #tpu.memory_space<hbm>>
      %dma_start3A_610 = tpu.memref_squeeze %dma_start3A_609 : memref<1x50x32xf32, #tpu.memory_space<hbm>> -> memref<50x32xf32, #tpu.memory_space<hbm>>
      %dma_start3A_611 = arith.constant 0 : i32
      %dma_start3A_612 = arith.constant 0 : i32
      %dma_start3A_613 = tpu.memref_slice %arg6[%dma_start3A_595, %dma_start3A_611, %dma_start3A_612] : memref<8x50x32xf32, #tpu.memory_space<vmem>> -> memref<1x50x32xf32, #tpu.memory_space<vmem>>
      %dma_start3A_614 = tpu.memref_squeeze %dma_start3A_613 : memref<1x50x32xf32, #tpu.memory_space<vmem>> -> memref<50x32xf32, #tpu.memory_space<vmem>>
      tpu.enqueue_dma source(%dma_start3A_614 : memref<50x32xf32, #tpu.memory_space<vmem>>) target(%dma_start3A_610 : memref<50x32xf32, #tpu.memory_space<hbm>>) target_semaphore(%dma_start3A_606 : memref<!tpu.dma_semaphore, #tpu.memory_space<semaphore_mem>>)
      %lt3A = arith.constant 63 : i32
      %lt3A_615 = arith.cmpi slt, %scan3A_302, %lt3A : i32
      %convert_element_type3A = arith.extui %lt3A_615 : i1 to i32
      %cond3A = arith.constant 0 : i32
      %cond3A_616 = arith.cmpi ne, %convert_element_type3A, %cond3A : i32
      scf.if %cond3A_616 {
        %mul3A_617 = arith.constant 8 : i32
        %mul3A_618 = arith.muli %scan3A_302, %mul3A_617 : i32
        %add3A_619 = arith.constant 0 : i32
        %add3A_620 = arith.addi %mul3A_618, %add3A_619 : i32
        %add3A_621 = arith.addi %multiple_of3A, %add3A_620 : i32
        %dma_wait3A_622 = arith.constant 0 : i32
        %dma_wait3A_623 = arith.constant 0 : i32
        %dma_wait3A_624 = arith.constant 0 : i32
        %dma_wait3A_625 = arith.constant 0 : i32
        %dma_wait3A_626 = tpu.memref_slice %arg6[%dma_wait3A_622, %dma_wait3A_624, %dma_wait3A_625] : memref<8x50x32xf32, #tpu.memory_space<vmem>> -> memref<1x50x32xf32, #tpu.memory_space<vmem>>
        %dma_wait3A_627 = tpu.memref_squeeze %dma_wait3A_626 : memref<1x50x32xf32, #tpu.memory_space<vmem>> -> memref<50x32xf32, #tpu.memory_space<vmem>>
        %dma_wait3A_628 = arith.constant 0 : i32
        %dma_wait3A_629 = arith.constant 0 : i32
        %dma_wait3A_630 = tpu.memref_slice %arg4[%add3A_621, %dma_wait3A_628, %dma_wait3A_629] : memref<16384x50x32xf32, #tpu.memory_space<hbm>> -> memref<1x50x32xf32, #tpu.memory_space<hbm>>
        %dma_wait3A_631 = tpu.memref_squeeze %dma_wait3A_630 : memref<1x50x32xf32, #tpu.memory_space<hbm>> -> memref<50x32xf32, #tpu.memory_space<hbm>>
        %dma_wait3A_632 = tpu.memref_slice %arg8[%dma_wait3A_623] : memref<8x!tpu.dma_semaphore, #tpu.memory_space<semaphore_mem>> -> memref<1x!tpu.dma_semaphore, #tpu.memory_space<semaphore_mem>>
        %dma_wait3A_633 = tpu.memref_squeeze %dma_wait3A_632 : memref<1x!tpu.dma_semaphore, #tpu.memory_space<semaphore_mem>> -> memref<!tpu.dma_semaphore, #tpu.memory_space<semaphore_mem>>
        %dma_wait3A_634 = arith.constant 0 : i32
        %dma_wait3A_635 = arith.constant 0 : i32
        %dma_wait3A_636 = tpu.memref_slice %arg4[%add3A_621, %dma_wait3A_634, %dma_wait3A_635] : memref<16384x50x32xf32, #tpu.memory_space<hbm>> -> memref<1x50x32xf32, #tpu.memory_space<hbm>>
        %dma_wait3A_637 = tpu.memref_squeeze %dma_wait3A_636 : memref<1x50x32xf32, #tpu.memory_space<hbm>> -> memref<50x32xf32, #tpu.memory_space<hbm>>
        %dma_wait3A_638 = arith.constant 0 : i32
        %dma_wait3A_639 = arith.constant 0 : i32
        %dma_wait3A_640 = tpu.memref_slice %arg6[%dma_wait3A_622, %dma_wait3A_638, %dma_wait3A_639] : memref<8x50x32xf32, #tpu.memory_space<vmem>> -> memref<1x50x32xf32, #tpu.memory_space<vmem>>
        %dma_wait3A_641 = tpu.memref_squeeze %dma_wait3A_640 : memref<1x50x32xf32, #tpu.memory_space<vmem>> -> memref<50x32xf32, #tpu.memory_space<vmem>>
        tpu.wait_dma2 semaphore(%dma_wait3A_633 : memref<!tpu.dma_semaphore, #tpu.memory_space<semaphore_mem>>) src(%dma_wait3A_641 : memref<50x32xf32, #tpu.memory_space<vmem>>) dst(%dma_wait3A_637 : memref<50x32xf32, #tpu.memory_space<hbm>>)
        %add3A_642 = arith.constant 1 : i32
        %add3A_643 = arith.addi %scan3A_302, %add3A_642 : i32
        %mul3A_644 = arith.constant 8 : i32
        %mul3A_645 = arith.muli %add3A_643, %mul3A_644 : i32
        %add3A_646 = arith.constant 0 : i32
        %add3A_647 = arith.addi %mul3A_645, %add3A_646 : i32
        %dma_start3A_648 = arith.constant 0 : i32
        %dma_start3A_649 = arith.constant 0 : i32
        %dma_start3A_650 = arith.constant 0 : i32
        %dma_start3A_651 = arith.constant 0 : i32
        %dma_start3A_652 = tpu.memref_slice %arg6[%dma_start3A_648, %dma_start3A_650, %dma_start3A_651] : memref<8x50x32xf32, #tpu.memory_space<vmem>> -> memref<1x50x32xf32, #tpu.memory_space<vmem>>
        %dma_start3A_653 = tpu.memref_squeeze %dma_start3A_652 : memref<1x50x32xf32, #tpu.memory_space<vmem>> -> memref<50x32xf32, #tpu.memory_space<vmem>>
        %dma_start3A_654 = arith.constant 0 : i32
        %dma_start3A_655 = tpu.memref_slice %arg5[%add3A_647, %dma_start3A_654] : memref<512x50xi32, #tpu.memory_space<vmem>> -> memref<1x50xi32, #tpu.memory_space<vmem>>
        %dma_start3A_656 = tpu.memref_squeeze %dma_start3A_655 : memref<1x50xi32, #tpu.memory_space<vmem>> -> memref<50xi32, #tpu.memory_space<vmem>>
        %dma_start3A_657 = arith.constant 0 : i32
        %dma_start3A_658 = arith.constant 0 : i32
        %dma_start3A_659 = tpu.memref_slice %arg2[%dma_start3A_657, %dma_start3A_658] : memref<1000000x32xf32, #tpu.memory_space<hbm>> -> memref<1000000x32xf32, #tpu.memory_space<hbm>>
        %dma_start3A_660 = tpu.memref_slice %arg7[%dma_start3A_649] : memref<8x!tpu.dma_semaphore, #tpu.memory_space<semaphore_mem>> -> memref<1x!tpu.dma_semaphore, #tpu.memory_space<semaphore_mem>>
        %dma_start3A_661 = tpu.memref_squeeze %dma_start3A_660 : memref<1x!tpu.dma_semaphore, #tpu.memory_space<semaphore_mem>> -> memref<!tpu.dma_semaphore, #tpu.memory_space<semaphore_mem>>
        tpu.enqueue_indirect_dma source(%dma_start3A_659 : memref<1000000x32xf32, #tpu.memory_space<hbm>>) target(%dma_start3A_653 : memref<50x32xf32, #tpu.memory_space<vmem>>) offsets(%dma_start3A_656 : memref<50xi32, #tpu.memory_space<vmem>>) semaphore(%dma_start3A_661 : memref<!tpu.dma_semaphore, #tpu.memory_space<semaphore_mem>>)
        %mul3A_662 = arith.constant 8 : i32
        %mul3A_663 = arith.muli %scan3A_302, %mul3A_662 : i32
        %add3A_664 = arith.constant 1 : i32
        %add3A_665 = arith.addi %mul3A_663, %add3A_664 : i32
        %add3A_666 = arith.addi %multiple_of3A, %add3A_665 : i32
        %dma_wait3A_667 = arith.constant 1 : i32
        %dma_wait3A_668 = arith.constant 1 : i32
        %dma_wait3A_669 = arith.constant 0 : i32
        %dma_wait3A_670 = arith.constant 0 : i32
        %dma_wait3A_671 = tpu.memref_slice %arg6[%dma_wait3A_667, %dma_wait3A_669, %dma_wait3A_670] : memref<8x50x32xf32, #tpu.memory_space<vmem>> -> memref<1x50x32xf32, #tpu.memory_space<vmem>>
        %dma_wait3A_672 = tpu.memref_squeeze %dma_wait3A_671 : memref<1x50x32xf32, #tpu.memory_space<vmem>> -> memref<50x32xf32, #tpu.memory_space<vmem>>
        %dma_wait3A_673 = arith.constant 0 : i32
        %dma_wait3A_674 = arith.constant 0 : i32
        %dma_wait3A_675 = tpu.memref_slice %arg4[%add3A_666, %dma_wait3A_673, %dma_wait3A_674] : memref<16384x50x32xf32, #tpu.memory_space<hbm>> -> memref<1x50x32xf32, #tpu.memory_space<hbm>>
        %dma_wait3A_676 = tpu.memref_squeeze %dma_wait3A_675 : memref<1x50x32xf32, #tpu.memory_space<hbm>> -> memref<50x32xf32, #tpu.memory_space<hbm>>
        %dma_wait3A_677 = tpu.memref_slice %arg8[%dma_wait3A_668] : memref<8x!tpu.dma_semaphore, #tpu.memory_space<semaphore_mem>> -> memref<1x!tpu.dma_semaphore, #tpu.memory_space<semaphore_mem>>
        %dma_wait3A_678 = tpu.memref_squeeze %dma_wait3A_677 : memref<1x!tpu.dma_semaphore, #tpu.memory_space<semaphore_mem>> -> memref<!tpu.dma_semaphore, #tpu.memory_space<semaphore_mem>>
        %dma_wait3A_679 = arith.constant 0 : i32
        %dma_wait3A_680 = arith.constant 0 : i32
        %dma_wait3A_681 = tpu.memref_slice %arg4[%add3A_666, %dma_wait3A_679, %dma_wait3A_680] : memref<16384x50x32xf32, #tpu.memory_space<hbm>> -> memref<1x50x32xf32, #tpu.memory_space<hbm>>
        %dma_wait3A_682 = tpu.memref_squeeze %dma_wait3A_681 : memref<1x50x32xf32, #tpu.memory_space<hbm>> -> memref<50x32xf32, #tpu.memory_space<hbm>>
        %dma_wait3A_683 = arith.constant 0 : i32
        %dma_wait3A_684 = arith.constant 0 : i32
        %dma_wait3A_685 = tpu.memref_slice %arg6[%dma_wait3A_667, %dma_wait3A_683, %dma_wait3A_684] : memref<8x50x32xf32, #tpu.memory_space<vmem>> -> memref<1x50x32xf32, #tpu.memory_space<vmem>>
        %dma_wait3A_686 = tpu.memref_squeeze %dma_wait3A_685 : memref<1x50x32xf32, #tpu.memory_space<vmem>> -> memref<50x32xf32, #tpu.memory_space<vmem>>
        tpu.wait_dma2 semaphore(%dma_wait3A_678 : memref<!tpu.dma_semaphore, #tpu.memory_space<semaphore_mem>>) src(%dma_wait3A_686 : memref<50x32xf32, #tpu.memory_space<vmem>>) dst(%dma_wait3A_682 : memref<50x32xf32, #tpu.memory_space<hbm>>)
        %add3A_687 = arith.constant 1 : i32
        %add3A_688 = arith.addi %scan3A_302, %add3A_687 : i32
        %mul3A_689 = arith.constant 8 : i32
        %mul3A_690 = arith.muli %add3A_688, %mul3A_689 : i32
        %add3A_691 = arith.constant 1 : i32
        %add3A_692 = arith.addi %mul3A_690, %add3A_691 : i32
        %dma_start3A_693 = arith.constant 1 : i32
        %dma_start3A_694 = arith.constant 1 : i32
        %dma_start3A_695 = arith.constant 0 : i32
        %dma_start3A_696 = arith.constant 0 : i32
        %dma_start3A_697 = tpu.memref_slice %arg6[%dma_start3A_693, %dma_start3A_695, %dma_start3A_696] : memref<8x50x32xf32, #tpu.memory_space<vmem>> -> memref<1x50x32xf32, #tpu.memory_space<vmem>>
        %dma_start3A_698 = tpu.memref_squeeze %dma_start3A_697 : memref<1x50x32xf32, #tpu.memory_space<vmem>> -> memref<50x32xf32, #tpu.memory_space<vmem>>
        %dma_start3A_699 = arith.constant 0 : i32
        %dma_start3A_700 = tpu.memref_slice %arg5[%add3A_692, %dma_start3A_699] : memref<512x50xi32, #tpu.memory_space<vmem>> -> memref<1x50xi32, #tpu.memory_space<vmem>>
        %dma_start3A_701 = tpu.memref_squeeze %dma_start3A_700 : memref<1x50xi32, #tpu.memory_space<vmem>> -> memref<50xi32, #tpu.memory_space<vmem>>
        %dma_start3A_702 = arith.constant 0 : i32
        %dma_start3A_703 = arith.constant 0 : i32
        %dma_start3A_704 = tpu.memref_slice %arg2[%dma_start3A_702, %dma_start3A_703] : memref<1000000x32xf32, #tpu.memory_space<hbm>> -> memref<1000000x32xf32, #tpu.memory_space<hbm>>
        %dma_start3A_705 = tpu.memref_slice %arg7[%dma_start3A_694] : memref<8x!tpu.dma_semaphore, #tpu.memory_space<semaphore_mem>> -> memref<1x!tpu.dma_semaphore, #tpu.memory_space<semaphore_mem>>
        %dma_start3A_706 = tpu.memref_squeeze %dma_start3A_705 : memref<1x!tpu.dma_semaphore, #tpu.memory_space<semaphore_mem>> -> memref<!tpu.dma_semaphore, #tpu.memory_space<semaphore_mem>>
        tpu.enqueue_indirect_dma source(%dma_start3A_704 : memref<1000000x32xf32, #tpu.memory_space<hbm>>) target(%dma_start3A_698 : memref<50x32xf32, #tpu.memory_space<vmem>>) offsets(%dma_start3A_701 : memref<50xi32, #tpu.memory_space<vmem>>) semaphore(%dma_start3A_706 : memref<!tpu.dma_semaphore, #tpu.memory_space<semaphore_mem>>)
        %mul3A_707 = arith.constant 8 : i32
        %mul3A_708 = arith.muli %scan3A_302, %mul3A_707 : i32
        %add3A_709 = arith.constant 2 : i32
        %add3A_710 = arith.addi %mul3A_708, %add3A_709 : i32
        %add3A_711 = arith.addi %multiple_of3A, %add3A_710 : i32
        %dma_wait3A_712 = arith.constant 2 : i32
        %dma_wait3A_713 = arith.constant 2 : i32
        %dma_wait3A_714 = arith.constant 0 : i32
        %dma_wait3A_715 = arith.constant 0 : i32
        %dma_wait3A_716 = tpu.memref_slice %arg6[%dma_wait3A_712, %dma_wait3A_714, %dma_wait3A_715] : memref<8x50x32xf32, #tpu.memory_space<vmem>> -> memref<1x50x32xf32, #tpu.memory_space<vmem>>
        %dma_wait3A_717 = tpu.memref_squeeze %dma_wait3A_716 : memref<1x50x32xf32, #tpu.memory_space<vmem>> -> memref<50x32xf32, #tpu.memory_space<vmem>>
        %dma_wait3A_718 = arith.constant 0 : i32
        %dma_wait3A_719 = arith.constant 0 : i32
        %dma_wait3A_720 = tpu.memref_slice %arg4[%add3A_711, %dma_wait3A_718, %dma_wait3A_719] : memref<16384x50x32xf32, #tpu.memory_space<hbm>> -> memref<1x50x32xf32, #tpu.memory_space<hbm>>
        %dma_wait3A_721 = tpu.memref_squeeze %dma_wait3A_720 : memref<1x50x32xf32, #tpu.memory_space<hbm>> -> memref<50x32xf32, #tpu.memory_space<hbm>>
        %dma_wait3A_722 = tpu.memref_slice %arg8[%dma_wait3A_713] : memref<8x!tpu.dma_semaphore, #tpu.memory_space<semaphore_mem>> -> memref<1x!tpu.dma_semaphore, #tpu.memory_space<semaphore_mem>>
        %dma_wait3A_723 = tpu.memref_squeeze %dma_wait3A_722 : memref<1x!tpu.dma_semaphore, #tpu.memory_space<semaphore_mem>> -> memref<!tpu.dma_semaphore, #tpu.memory_space<semaphore_mem>>
        %dma_wait3A_724 = arith.constant 0 : i32
        %dma_wait3A_725 = arith.constant 0 : i32
        %dma_wait3A_726 = tpu.memref_slice %arg4[%add3A_711, %dma_wait3A_724, %dma_wait3A_725] : memref<16384x50x32xf32, #tpu.memory_space<hbm>> -> memref<1x50x32xf32, #tpu.memory_space<hbm>>
        %dma_wait3A_727 = tpu.memref_squeeze %dma_wait3A_726 : memref<1x50x32xf32, #tpu.memory_space<hbm>> -> memref<50x32xf32, #tpu.memory_space<hbm>>
        %dma_wait3A_728 = arith.constant 0 : i32
        %dma_wait3A_729 = arith.constant 0 : i32
        %dma_wait3A_730 = tpu.memref_slice %arg6[%dma_wait3A_712, %dma_wait3A_728, %dma_wait3A_729] : memref<8x50x32xf32, #tpu.memory_space<vmem>> -> memref<1x50x32xf32, #tpu.memory_space<vmem>>
        %dma_wait3A_731 = tpu.memref_squeeze %dma_wait3A_730 : memref<1x50x32xf32, #tpu.memory_space<vmem>> -> memref<50x32xf32, #tpu.memory_space<vmem>>
        tpu.wait_dma2 semaphore(%dma_wait3A_723 : memref<!tpu.dma_semaphore, #tpu.memory_space<semaphore_mem>>) src(%dma_wait3A_731 : memref<50x32xf32, #tpu.memory_space<vmem>>) dst(%dma_wait3A_727 : memref<50x32xf32, #tpu.memory_space<hbm>>)
        %add3A_732 = arith.constant 1 : i32
        %add3A_733 = arith.addi %scan3A_302, %add3A_732 : i32
        %mul3A_734 = arith.constant 8 : i32
        %mul3A_735 = arith.muli %add3A_733, %mul3A_734 : i32
        %add3A_736 = arith.constant 2 : i32
        %add3A_737 = arith.addi %mul3A_735, %add3A_736 : i32
        %dma_start3A_738 = arith.constant 2 : i32
        %dma_start3A_739 = arith.constant 2 : i32
        %dma_start3A_740 = arith.constant 0 : i32
        %dma_start3A_741 = arith.constant 0 : i32
        %dma_start3A_742 = tpu.memref_slice %arg6[%dma_start3A_738, %dma_start3A_740, %dma_start3A_741] : memref<8x50x32xf32, #tpu.memory_space<vmem>> -> memref<1x50x32xf32, #tpu.memory_space<vmem>>
        %dma_start3A_743 = tpu.memref_squeeze %dma_start3A_742 : memref<1x50x32xf32, #tpu.memory_space<vmem>> -> memref<50x32xf32, #tpu.memory_space<vmem>>
        %dma_start3A_744 = arith.constant 0 : i32
        %dma_start3A_745 = tpu.memref_slice %arg5[%add3A_737, %dma_start3A_744] : memref<512x50xi32, #tpu.memory_space<vmem>> -> memref<1x50xi32, #tpu.memory_space<vmem>>
        %dma_start3A_746 = tpu.memref_squeeze %dma_start3A_745 : memref<1x50xi32, #tpu.memory_space<vmem>> -> memref<50xi32, #tpu.memory_space<vmem>>
        %dma_start3A_747 = arith.constant 0 : i32
        %dma_start3A_748 = arith.constant 0 : i32
        %dma_start3A_749 = tpu.memref_slice %arg2[%dma_start3A_747, %dma_start3A_748] : memref<1000000x32xf32, #tpu.memory_space<hbm>> -> memref<1000000x32xf32, #tpu.memory_space<hbm>>
        %dma_start3A_750 = tpu.memref_slice %arg7[%dma_start3A_739] : memref<8x!tpu.dma_semaphore, #tpu.memory_space<semaphore_mem>> -> memref<1x!tpu.dma_semaphore, #tpu.memory_space<semaphore_mem>>
        %dma_start3A_751 = tpu.memref_squeeze %dma_start3A_750 : memref<1x!tpu.dma_semaphore, #tpu.memory_space<semaphore_mem>> -> memref<!tpu.dma_semaphore, #tpu.memory_space<semaphore_mem>>
        tpu.enqueue_indirect_dma source(%dma_start3A_749 : memref<1000000x32xf32, #tpu.memory_space<hbm>>) target(%dma_start3A_743 : memref<50x32xf32, #tpu.memory_space<vmem>>) offsets(%dma_start3A_746 : memref<50xi32, #tpu.memory_space<vmem>>) semaphore(%dma_start3A_751 : memref<!tpu.dma_semaphore, #tpu.memory_space<semaphore_mem>>)
        %mul3A_752 = arith.constant 8 : i32
        %mul3A_753 = arith.muli %scan3A_302, %mul3A_752 : i32
        %add3A_754 = arith.constant 3 : i32
        %add3A_755 = arith.addi %mul3A_753, %add3A_754 : i32
        %add3A_756 = arith.addi %multiple_of3A, %add3A_755 : i32
        %dma_wait3A_757 = arith.constant 3 : i32
        %dma_wait3A_758 = arith.constant 3 : i32
        %dma_wait3A_759 = arith.constant 0 : i32
        %dma_wait3A_760 = arith.constant 0 : i32
        %dma_wait3A_761 = tpu.memref_slice %arg6[%dma_wait3A_757, %dma_wait3A_759, %dma_wait3A_760] : memref<8x50x32xf32, #tpu.memory_space<vmem>> -> memref<1x50x32xf32, #tpu.memory_space<vmem>>
        %dma_wait3A_762 = tpu.memref_squeeze %dma_wait3A_761 : memref<1x50x32xf32, #tpu.memory_space<vmem>> -> memref<50x32xf32, #tpu.memory_space<vmem>>
        %dma_wait3A_763 = arith.constant 0 : i32
        %dma_wait3A_764 = arith.constant 0 : i32
        %dma_wait3A_765 = tpu.memref_slice %arg4[%add3A_756, %dma_wait3A_763, %dma_wait3A_764] : memref<16384x50x32xf32, #tpu.memory_space<hbm>> -> memref<1x50x32xf32, #tpu.memory_space<hbm>>
        %dma_wait3A_766 = tpu.memref_squeeze %dma_wait3A_765 : memref<1x50x32xf32, #tpu.memory_space<hbm>> -> memref<50x32xf32, #tpu.memory_space<hbm>>
        %dma_wait3A_767 = tpu.memref_slice %arg8[%dma_wait3A_758] : memref<8x!tpu.dma_semaphore, #tpu.memory_space<semaphore_mem>> -> memref<1x!tpu.dma_semaphore, #tpu.memory_space<semaphore_mem>>
        %dma_wait3A_768 = tpu.memref_squeeze %dma_wait3A_767 : memref<1x!tpu.dma_semaphore, #tpu.memory_space<semaphore_mem>> -> memref<!tpu.dma_semaphore, #tpu.memory_space<semaphore_mem>>
        %dma_wait3A_769 = arith.constant 0 : i32
        %dma_wait3A_770 = arith.constant 0 : i32
        %dma_wait3A_771 = tpu.memref_slice %arg4[%add3A_756, %dma_wait3A_769, %dma_wait3A_770] : memref<16384x50x32xf32, #tpu.memory_space<hbm>> -> memref<1x50x32xf32, #tpu.memory_space<hbm>>
        %dma_wait3A_772 = tpu.memref_squeeze %dma_wait3A_771 : memref<1x50x32xf32, #tpu.memory_space<hbm>> -> memref<50x32xf32, #tpu.memory_space<hbm>>
        %dma_wait3A_773 = arith.constant 0 : i32
        %dma_wait3A_774 = arith.constant 0 : i32
        %dma_wait3A_775 = tpu.memref_slice %arg6[%dma_wait3A_757, %dma_wait3A_773, %dma_wait3A_774] : memref<8x50x32xf32, #tpu.memory_space<vmem>> -> memref<1x50x32xf32, #tpu.memory_space<vmem>>
        %dma_wait3A_776 = tpu.memref_squeeze %dma_wait3A_775 : memref<1x50x32xf32, #tpu.memory_space<vmem>> -> memref<50x32xf32, #tpu.memory_space<vmem>>
        tpu.wait_dma2 semaphore(%dma_wait3A_768 : memref<!tpu.dma_semaphore, #tpu.memory_space<semaphore_mem>>) src(%dma_wait3A_776 : memref<50x32xf32, #tpu.memory_space<vmem>>) dst(%dma_wait3A_772 : memref<50x32xf32, #tpu.memory_space<hbm>>)
        %add3A_777 = arith.constant 1 : i32
        %add3A_778 = arith.addi %scan3A_302, %add3A_777 : i32
        %mul3A_779 = arith.constant 8 : i32
        %mul3A_780 = arith.muli %add3A_778, %mul3A_779 : i32
        %add3A_781 = arith.constant 3 : i32
        %add3A_782 = arith.addi %mul3A_780, %add3A_781 : i32
        %dma_start3A_783 = arith.constant 3 : i32
        %dma_start3A_784 = arith.constant 3 : i32
        %dma_start3A_785 = arith.constant 0 : i32
        %dma_start3A_786 = arith.constant 0 : i32
        %dma_start3A_787 = tpu.memref_slice %arg6[%dma_start3A_783, %dma_start3A_785, %dma_start3A_786] : memref<8x50x32xf32, #tpu.memory_space<vmem>> -> memref<1x50x32xf32, #tpu.memory_space<vmem>>
        %dma_start3A_788 = tpu.memref_squeeze %dma_start3A_787 : memref<1x50x32xf32, #tpu.memory_space<vmem>> -> memref<50x32xf32, #tpu.memory_space<vmem>>
        %dma_start3A_789 = arith.constant 0 : i32
        %dma_start3A_790 = tpu.memref_slice %arg5[%add3A_782, %dma_start3A_789] : memref<512x50xi32, #tpu.memory_space<vmem>> -> memref<1x50xi32, #tpu.memory_space<vmem>>
        %dma_start3A_791 = tpu.memref_squeeze %dma_start3A_790 : memref<1x50xi32, #tpu.memory_space<vmem>> -> memref<50xi32, #tpu.memory_space<vmem>>
        %dma_start3A_792 = arith.constant 0 : i32
        %dma_start3A_793 = arith.constant 0 : i32
        %dma_start3A_794 = tpu.memref_slice %arg2[%dma_start3A_792, %dma_start3A_793] : memref<1000000x32xf32, #tpu.memory_space<hbm>> -> memref<1000000x32xf32, #tpu.memory_space<hbm>>
        %dma_start3A_795 = tpu.memref_slice %arg7[%dma_start3A_784] : memref<8x!tpu.dma_semaphore, #tpu.memory_space<semaphore_mem>> -> memref<1x!tpu.dma_semaphore, #tpu.memory_space<semaphore_mem>>
        %dma_start3A_796 = tpu.memref_squeeze %dma_start3A_795 : memref<1x!tpu.dma_semaphore, #tpu.memory_space<semaphore_mem>> -> memref<!tpu.dma_semaphore, #tpu.memory_space<semaphore_mem>>
        tpu.enqueue_indirect_dma source(%dma_start3A_794 : memref<1000000x32xf32, #tpu.memory_space<hbm>>) target(%dma_start3A_788 : memref<50x32xf32, #tpu.memory_space<vmem>>) offsets(%dma_start3A_791 : memref<50xi32, #tpu.memory_space<vmem>>) semaphore(%dma_start3A_796 : memref<!tpu.dma_semaphore, #tpu.memory_space<semaphore_mem>>)
        %mul3A_797 = arith.constant 8 : i32
        %mul3A_798 = arith.muli %scan3A_302, %mul3A_797 : i32
        %add3A_799 = arith.constant 4 : i32
        %add3A_800 = arith.addi %mul3A_798, %add3A_799 : i32
        %add3A_801 = arith.addi %multiple_of3A, %add3A_800 : i32
        %dma_wait3A_802 = arith.constant 4 : i32
        %dma_wait3A_803 = arith.constant 4 : i32
        %dma_wait3A_804 = arith.constant 0 : i32
        %dma_wait3A_805 = arith.constant 0 : i32
        %dma_wait3A_806 = tpu.memref_slice %arg6[%dma_wait3A_802, %dma_wait3A_804, %dma_wait3A_805] : memref<8x50x32xf32, #tpu.memory_space<vmem>> -> memref<1x50x32xf32, #tpu.memory_space<vmem>>
        %dma_wait3A_807 = tpu.memref_squeeze %dma_wait3A_806 : memref<1x50x32xf32, #tpu.memory_space<vmem>> -> memref<50x32xf32, #tpu.memory_space<vmem>>
        %dma_wait3A_808 = arith.constant 0 : i32
        %dma_wait3A_809 = arith.constant 0 : i32
        %dma_wait3A_810 = tpu.memref_slice %arg4[%add3A_801, %dma_wait3A_808, %dma_wait3A_809] : memref<16384x50x32xf32, #tpu.memory_space<hbm>> -> memref<1x50x32xf32, #tpu.memory_space<hbm>>
        %dma_wait3A_811 = tpu.memref_squeeze %dma_wait3A_810 : memref<1x50x32xf32, #tpu.memory_space<hbm>> -> memref<50x32xf32, #tpu.memory_space<hbm>>
        %dma_wait3A_812 = tpu.memref_slice %arg8[%dma_wait3A_803] : memref<8x!tpu.dma_semaphore, #tpu.memory_space<semaphore_mem>> -> memref<1x!tpu.dma_semaphore, #tpu.memory_space<semaphore_mem>>
        %dma_wait3A_813 = tpu.memref_squeeze %dma_wait3A_812 : memref<1x!tpu.dma_semaphore, #tpu.memory_space<semaphore_mem>> -> memref<!tpu.dma_semaphore, #tpu.memory_space<semaphore_mem>>
        %dma_wait3A_814 = arith.constant 0 : i32
        %dma_wait3A_815 = arith.constant 0 : i32
        %dma_wait3A_816 = tpu.memref_slice %arg4[%add3A_801, %dma_wait3A_814, %dma_wait3A_815] : memref<16384x50x32xf32, #tpu.memory_space<hbm>> -> memref<1x50x32xf32, #tpu.memory_space<hbm>>
        %dma_wait3A_817 = tpu.memref_squeeze %dma_wait3A_816 : memref<1x50x32xf32, #tpu.memory_space<hbm>> -> memref<50x32xf32, #tpu.memory_space<hbm>>
        %dma_wait3A_818 = arith.constant 0 : i32
        %dma_wait3A_819 = arith.constant 0 : i32
        %dma_wait3A_820 = tpu.memref_slice %arg6[%dma_wait3A_802, %dma_wait3A_818, %dma_wait3A_819] : memref<8x50x32xf32, #tpu.memory_space<vmem>> -> memref<1x50x32xf32, #tpu.memory_space<vmem>>
        %dma_wait3A_821 = tpu.memref_squeeze %dma_wait3A_820 : memref<1x50x32xf32, #tpu.memory_space<vmem>> -> memref<50x32xf32, #tpu.memory_space<vmem>>
        tpu.wait_dma2 semaphore(%dma_wait3A_813 : memref<!tpu.dma_semaphore, #tpu.memory_space<semaphore_mem>>) src(%dma_wait3A_821 : memref<50x32xf32, #tpu.memory_space<vmem>>) dst(%dma_wait3A_817 : memref<50x32xf32, #tpu.memory_space<hbm>>)
        %add3A_822 = arith.constant 1 : i32
        %add3A_823 = arith.addi %scan3A_302, %add3A_822 : i32
        %mul3A_824 = arith.constant 8 : i32
        %mul3A_825 = arith.muli %add3A_823, %mul3A_824 : i32
        %add3A_826 = arith.constant 4 : i32
        %add3A_827 = arith.addi %mul3A_825, %add3A_826 : i32
        %dma_start3A_828 = arith.constant 4 : i32
        %dma_start3A_829 = arith.constant 4 : i32
        %dma_start3A_830 = arith.constant 0 : i32
        %dma_start3A_831 = arith.constant 0 : i32
        %dma_start3A_832 = tpu.memref_slice %arg6[%dma_start3A_828, %dma_start3A_830, %dma_start3A_831] : memref<8x50x32xf32, #tpu.memory_space<vmem>> -> memref<1x50x32xf32, #tpu.memory_space<vmem>>
        %dma_start3A_833 = tpu.memref_squeeze %dma_start3A_832 : memref<1x50x32xf32, #tpu.memory_space<vmem>> -> memref<50x32xf32, #tpu.memory_space<vmem>>
        %dma_start3A_834 = arith.constant 0 : i32
        %dma_start3A_835 = tpu.memref_slice %arg5[%add3A_827, %dma_start3A_834] : memref<512x50xi32, #tpu.memory_space<vmem>> -> memref<1x50xi32, #tpu.memory_space<vmem>>
        %dma_start3A_836 = tpu.memref_squeeze %dma_start3A_835 : memref<1x50xi32, #tpu.memory_space<vmem>> -> memref<50xi32, #tpu.memory_space<vmem>>
        %dma_start3A_837 = arith.constant 0 : i32
        %dma_start3A_838 = arith.constant 0 : i32
        %dma_start3A_839 = tpu.memref_slice %arg2[%dma_start3A_837, %dma_start3A_838] : memref<1000000x32xf32, #tpu.memory_space<hbm>> -> memref<1000000x32xf32, #tpu.memory_space<hbm>>
        %dma_start3A_840 = tpu.memref_slice %arg7[%dma_start3A_829] : memref<8x!tpu.dma_semaphore, #tpu.memory_space<semaphore_mem>> -> memref<1x!tpu.dma_semaphore, #tpu.memory_space<semaphore_mem>>
        %dma_start3A_841 = tpu.memref_squeeze %dma_start3A_840 : memref<1x!tpu.dma_semaphore, #tpu.memory_space<semaphore_mem>> -> memref<!tpu.dma_semaphore, #tpu.memory_space<semaphore_mem>>
        tpu.enqueue_indirect_dma source(%dma_start3A_839 : memref<1000000x32xf32, #tpu.memory_space<hbm>>) target(%dma_start3A_833 : memref<50x32xf32, #tpu.memory_space<vmem>>) offsets(%dma_start3A_836 : memref<50xi32, #tpu.memory_space<vmem>>) semaphore(%dma_start3A_841 : memref<!tpu.dma_semaphore, #tpu.memory_space<semaphore_mem>>)
        %mul3A_842 = arith.constant 8 : i32
        %mul3A_843 = arith.muli %scan3A_302, %mul3A_842 : i32
        %add3A_844 = arith.constant 5 : i32
        %add3A_845 = arith.addi %mul3A_843, %add3A_844 : i32
        %add3A_846 = arith.addi %multiple_of3A, %add3A_845 : i32
        %dma_wait3A_847 = arith.constant 5 : i32
        %dma_wait3A_848 = arith.constant 5 : i32
        %dma_wait3A_849 = arith.constant 0 : i32
        %dma_wait3A_850 = arith.constant 0 : i32
        %dma_wait3A_851 = tpu.memref_slice %arg6[%dma_wait3A_847, %dma_wait3A_849, %dma_wait3A_850] : memref<8x50x32xf32, #tpu.memory_space<vmem>> -> memref<1x50x32xf32, #tpu.memory_space<vmem>>
        %dma_wait3A_852 = tpu.memref_squeeze %dma_wait3A_851 : memref<1x50x32xf32, #tpu.memory_space<vmem>> -> memref<50x32xf32, #tpu.memory_space<vmem>>
        %dma_wait3A_853 = arith.constant 0 : i32
        %dma_wait3A_854 = arith.constant 0 : i32
        %dma_wait3A_855 = tpu.memref_slice %arg4[%add3A_846, %dma_wait3A_853, %dma_wait3A_854] : memref<16384x50x32xf32, #tpu.memory_space<hbm>> -> memref<1x50x32xf32, #tpu.memory_space<hbm>>
        %dma_wait3A_856 = tpu.memref_squeeze %dma_wait3A_855 : memref<1x50x32xf32, #tpu.memory_space<hbm>> -> memref<50x32xf32, #tpu.memory_space<hbm>>
        %dma_wait3A_857 = tpu.memref_slice %arg8[%dma_wait3A_848] : memref<8x!tpu.dma_semaphore, #tpu.memory_space<semaphore_mem>> -> memref<1x!tpu.dma_semaphore, #tpu.memory_space<semaphore_mem>>
        %dma_wait3A_858 = tpu.memref_squeeze %dma_wait3A_857 : memref<1x!tpu.dma_semaphore, #tpu.memory_space<semaphore_mem>> -> memref<!tpu.dma_semaphore, #tpu.memory_space<semaphore_mem>>
        %dma_wait3A_859 = arith.constant 0 : i32
        %dma_wait3A_860 = arith.constant 0 : i32
        %dma_wait3A_861 = tpu.memref_slice %arg4[%add3A_846, %dma_wait3A_859, %dma_wait3A_860] : memref<16384x50x32xf32, #tpu.memory_space<hbm>> -> memref<1x50x32xf32, #tpu.memory_space<hbm>>
        %dma_wait3A_862 = tpu.memref_squeeze %dma_wait3A_861 : memref<1x50x32xf32, #tpu.memory_space<hbm>> -> memref<50x32xf32, #tpu.memory_space<hbm>>
        %dma_wait3A_863 = arith.constant 0 : i32
        %dma_wait3A_864 = arith.constant 0 : i32
        %dma_wait3A_865 = tpu.memref_slice %arg6[%dma_wait3A_847, %dma_wait3A_863, %dma_wait3A_864] : memref<8x50x32xf32, #tpu.memory_space<vmem>> -> memref<1x50x32xf32, #tpu.memory_space<vmem>>
        %dma_wait3A_866 = tpu.memref_squeeze %dma_wait3A_865 : memref<1x50x32xf32, #tpu.memory_space<vmem>> -> memref<50x32xf32, #tpu.memory_space<vmem>>
        tpu.wait_dma2 semaphore(%dma_wait3A_858 : memref<!tpu.dma_semaphore, #tpu.memory_space<semaphore_mem>>) src(%dma_wait3A_866 : memref<50x32xf32, #tpu.memory_space<vmem>>) dst(%dma_wait3A_862 : memref<50x32xf32, #tpu.memory_space<hbm>>)
        %add3A_867 = arith.constant 1 : i32
        %add3A_868 = arith.addi %scan3A_302, %add3A_867 : i32
        %mul3A_869 = arith.constant 8 : i32
        %mul3A_870 = arith.muli %add3A_868, %mul3A_869 : i32
        %add3A_871 = arith.constant 5 : i32
        %add3A_872 = arith.addi %mul3A_870, %add3A_871 : i32
        %dma_start3A_873 = arith.constant 5 : i32
        %dma_start3A_874 = arith.constant 5 : i32
        %dma_start3A_875 = arith.constant 0 : i32
        %dma_start3A_876 = arith.constant 0 : i32
        %dma_start3A_877 = tpu.memref_slice %arg6[%dma_start3A_873, %dma_start3A_875, %dma_start3A_876] : memref<8x50x32xf32, #tpu.memory_space<vmem>> -> memref<1x50x32xf32, #tpu.memory_space<vmem>>
        %dma_start3A_878 = tpu.memref_squeeze %dma_start3A_877 : memref<1x50x32xf32, #tpu.memory_space<vmem>> -> memref<50x32xf32, #tpu.memory_space<vmem>>
        %dma_start3A_879 = arith.constant 0 : i32
        %dma_start3A_880 = tpu.memref_slice %arg5[%add3A_872, %dma_start3A_879] : memref<512x50xi32, #tpu.memory_space<vmem>> -> memref<1x50xi32, #tpu.memory_space<vmem>>
        %dma_start3A_881 = tpu.memref_squeeze %dma_start3A_880 : memref<1x50xi32, #tpu.memory_space<vmem>> -> memref<50xi32, #tpu.memory_space<vmem>>
        %dma_start3A_882 = arith.constant 0 : i32
        %dma_start3A_883 = arith.constant 0 : i32
        %dma_start3A_884 = tpu.memref_slice %arg2[%dma_start3A_882, %dma_start3A_883] : memref<1000000x32xf32, #tpu.memory_space<hbm>> -> memref<1000000x32xf32, #tpu.memory_space<hbm>>
        %dma_start3A_885 = tpu.memref_slice %arg7[%dma_start3A_874] : memref<8x!tpu.dma_semaphore, #tpu.memory_space<semaphore_mem>> -> memref<1x!tpu.dma_semaphore, #tpu.memory_space<semaphore_mem>>
        %dma_start3A_886 = tpu.memref_squeeze %dma_start3A_885 : memref<1x!tpu.dma_semaphore, #tpu.memory_space<semaphore_mem>> -> memref<!tpu.dma_semaphore, #tpu.memory_space<semaphore_mem>>
        tpu.enqueue_indirect_dma source(%dma_start3A_884 : memref<1000000x32xf32, #tpu.memory_space<hbm>>) target(%dma_start3A_878 : memref<50x32xf32, #tpu.memory_space<vmem>>) offsets(%dma_start3A_881 : memref<50xi32, #tpu.memory_space<vmem>>) semaphore(%dma_start3A_886 : memref<!tpu.dma_semaphore, #tpu.memory_space<semaphore_mem>>)
        %mul3A_887 = arith.constant 8 : i32
        %mul3A_888 = arith.muli %scan3A_302, %mul3A_887 : i32
        %add3A_889 = arith.constant 6 : i32
        %add3A_890 = arith.addi %mul3A_888, %add3A_889 : i32
        %add3A_891 = arith.addi %multiple_of3A, %add3A_890 : i32
        %dma_wait3A_892 = arith.constant 6 : i32
        %dma_wait3A_893 = arith.constant 6 : i32
        %dma_wait3A_894 = arith.constant 0 : i32
        %dma_wait3A_895 = arith.constant 0 : i32
        %dma_wait3A_896 = tpu.memref_slice %arg6[%dma_wait3A_892, %dma_wait3A_894, %dma_wait3A_895] : memref<8x50x32xf32, #tpu.memory_space<vmem>> -> memref<1x50x32xf32, #tpu.memory_space<vmem>>
        %dma_wait3A_897 = tpu.memref_squeeze %dma_wait3A_896 : memref<1x50x32xf32, #tpu.memory_space<vmem>> -> memref<50x32xf32, #tpu.memory_space<vmem>>
        %dma_wait3A_898 = arith.constant 0 : i32
        %dma_wait3A_899 = arith.constant 0 : i32
        %dma_wait3A_900 = tpu.memref_slice %arg4[%add3A_891, %dma_wait3A_898, %dma_wait3A_899] : memref<16384x50x32xf32, #tpu.memory_space<hbm>> -> memref<1x50x32xf32, #tpu.memory_space<hbm>>
        %dma_wait3A_901 = tpu.memref_squeeze %dma_wait3A_900 : memref<1x50x32xf32, #tpu.memory_space<hbm>> -> memref<50x32xf32, #tpu.memory_space<hbm>>
        %dma_wait3A_902 = tpu.memref_slice %arg8[%dma_wait3A_893] : memref<8x!tpu.dma_semaphore, #tpu.memory_space<semaphore_mem>> -> memref<1x!tpu.dma_semaphore, #tpu.memory_space<semaphore_mem>>
        %dma_wait3A_903 = tpu.memref_squeeze %dma_wait3A_902 : memref<1x!tpu.dma_semaphore, #tpu.memory_space<semaphore_mem>> -> memref<!tpu.dma_semaphore, #tpu.memory_space<semaphore_mem>>
        %dma_wait3A_904 = arith.constant 0 : i32
        %dma_wait3A_905 = arith.constant 0 : i32
        %dma_wait3A_906 = tpu.memref_slice %arg4[%add3A_891, %dma_wait3A_904, %dma_wait3A_905] : memref<16384x50x32xf32, #tpu.memory_space<hbm>> -> memref<1x50x32xf32, #tpu.memory_space<hbm>>
        %dma_wait3A_907 = tpu.memref_squeeze %dma_wait3A_906 : memref<1x50x32xf32, #tpu.memory_space<hbm>> -> memref<50x32xf32, #tpu.memory_space<hbm>>
        %dma_wait3A_908 = arith.constant 0 : i32
        %dma_wait3A_909 = arith.constant 0 : i32
        %dma_wait3A_910 = tpu.memref_slice %arg6[%dma_wait3A_892, %dma_wait3A_908, %dma_wait3A_909] : memref<8x50x32xf32, #tpu.memory_space<vmem>> -> memref<1x50x32xf32, #tpu.memory_space<vmem>>
        %dma_wait3A_911 = tpu.memref_squeeze %dma_wait3A_910 : memref<1x50x32xf32, #tpu.memory_space<vmem>> -> memref<50x32xf32, #tpu.memory_space<vmem>>
        tpu.wait_dma2 semaphore(%dma_wait3A_903 : memref<!tpu.dma_semaphore, #tpu.memory_space<semaphore_mem>>) src(%dma_wait3A_911 : memref<50x32xf32, #tpu.memory_space<vmem>>) dst(%dma_wait3A_907 : memref<50x32xf32, #tpu.memory_space<hbm>>)
        %add3A_912 = arith.constant 1 : i32
        %add3A_913 = arith.addi %scan3A_302, %add3A_912 : i32
        %mul3A_914 = arith.constant 8 : i32
        %mul3A_915 = arith.muli %add3A_913, %mul3A_914 : i32
        %add3A_916 = arith.constant 6 : i32
        %add3A_917 = arith.addi %mul3A_915, %add3A_916 : i32
        %dma_start3A_918 = arith.constant 6 : i32
        %dma_start3A_919 = arith.constant 6 : i32
        %dma_start3A_920 = arith.constant 0 : i32
        %dma_start3A_921 = arith.constant 0 : i32
        %dma_start3A_922 = tpu.memref_slice %arg6[%dma_start3A_918, %dma_start3A_920, %dma_start3A_921] : memref<8x50x32xf32, #tpu.memory_space<vmem>> -> memref<1x50x32xf32, #tpu.memory_space<vmem>>
        %dma_start3A_923 = tpu.memref_squeeze %dma_start3A_922 : memref<1x50x32xf32, #tpu.memory_space<vmem>> -> memref<50x32xf32, #tpu.memory_space<vmem>>
        %dma_start3A_924 = arith.constant 0 : i32
        %dma_start3A_925 = tpu.memref_slice %arg5[%add3A_917, %dma_start3A_924] : memref<512x50xi32, #tpu.memory_space<vmem>> -> memref<1x50xi32, #tpu.memory_space<vmem>>
        %dma_start3A_926 = tpu.memref_squeeze %dma_start3A_925 : memref<1x50xi32, #tpu.memory_space<vmem>> -> memref<50xi32, #tpu.memory_space<vmem>>
        %dma_start3A_927 = arith.constant 0 : i32
        %dma_start3A_928 = arith.constant 0 : i32
        %dma_start3A_929 = tpu.memref_slice %arg2[%dma_start3A_927, %dma_start3A_928] : memref<1000000x32xf32, #tpu.memory_space<hbm>> -> memref<1000000x32xf32, #tpu.memory_space<hbm>>
        %dma_start3A_930 = tpu.memref_slice %arg7[%dma_start3A_919] : memref<8x!tpu.dma_semaphore, #tpu.memory_space<semaphore_mem>> -> memref<1x!tpu.dma_semaphore, #tpu.memory_space<semaphore_mem>>
        %dma_start3A_931 = tpu.memref_squeeze %dma_start3A_930 : memref<1x!tpu.dma_semaphore, #tpu.memory_space<semaphore_mem>> -> memref<!tpu.dma_semaphore, #tpu.memory_space<semaphore_mem>>
        tpu.enqueue_indirect_dma source(%dma_start3A_929 : memref<1000000x32xf32, #tpu.memory_space<hbm>>) target(%dma_start3A_923 : memref<50x32xf32, #tpu.memory_space<vmem>>) offsets(%dma_start3A_926 : memref<50xi32, #tpu.memory_space<vmem>>) semaphore(%dma_start3A_931 : memref<!tpu.dma_semaphore, #tpu.memory_space<semaphore_mem>>)
        %mul3A_932 = arith.constant 8 : i32
        %mul3A_933 = arith.muli %scan3A_302, %mul3A_932 : i32
        %add3A_934 = arith.constant 7 : i32
        %add3A_935 = arith.addi %mul3A_933, %add3A_934 : i32
        %add3A_936 = arith.addi %multiple_of3A, %add3A_935 : i32
        %dma_wait3A_937 = arith.constant 7 : i32
        %dma_wait3A_938 = arith.constant 7 : i32
        %dma_wait3A_939 = arith.constant 0 : i32
        %dma_wait3A_940 = arith.constant 0 : i32
        %dma_wait3A_941 = tpu.memref_slice %arg6[%dma_wait3A_937, %dma_wait3A_939, %dma_wait3A_940] : memref<8x50x32xf32, #tpu.memory_space<vmem>> -> memref<1x50x32xf32, #tpu.memory_space<vmem>>
        %dma_wait3A_942 = tpu.memref_squeeze %dma_wait3A_941 : memref<1x50x32xf32, #tpu.memory_space<vmem>> -> memref<50x32xf32, #tpu.memory_space<vmem>>
        %dma_wait3A_943 = arith.constant 0 : i32
        %dma_wait3A_944 = arith.constant 0 : i32
        %dma_wait3A_945 = tpu.memref_slice %arg4[%add3A_936, %dma_wait3A_943, %dma_wait3A_944] : memref<16384x50x32xf32, #tpu.memory_space<hbm>> -> memref<1x50x32xf32, #tpu.memory_space<hbm>>
        %dma_wait3A_946 = tpu.memref_squeeze %dma_wait3A_945 : memref<1x50x32xf32, #tpu.memory_space<hbm>> -> memref<50x32xf32, #tpu.memory_space<hbm>>
        %dma_wait3A_947 = tpu.memref_slice %arg8[%dma_wait3A_938] : memref<8x!tpu.dma_semaphore, #tpu.memory_space<semaphore_mem>> -> memref<1x!tpu.dma_semaphore, #tpu.memory_space<semaphore_mem>>
        %dma_wait3A_948 = tpu.memref_squeeze %dma_wait3A_947 : memref<1x!tpu.dma_semaphore, #tpu.memory_space<semaphore_mem>> -> memref<!tpu.dma_semaphore, #tpu.memory_space<semaphore_mem>>
        %dma_wait3A_949 = arith.constant 0 : i32
        %dma_wait3A_950 = arith.constant 0 : i32
        %dma_wait3A_951 = tpu.memref_slice %arg4[%add3A_936, %dma_wait3A_949, %dma_wait3A_950] : memref<16384x50x32xf32, #tpu.memory_space<hbm>> -> memref<1x50x32xf32, #tpu.memory_space<hbm>>
        %dma_wait3A_952 = tpu.memref_squeeze %dma_wait3A_951 : memref<1x50x32xf32, #tpu.memory_space<hbm>> -> memref<50x32xf32, #tpu.memory_space<hbm>>
        %dma_wait3A_953 = arith.constant 0 : i32
        %dma_wait3A_954 = arith.constant 0 : i32
        %dma_wait3A_955 = tpu.memref_slice %arg6[%dma_wait3A_937, %dma_wait3A_953, %dma_wait3A_954] : memref<8x50x32xf32, #tpu.memory_space<vmem>> -> memref<1x50x32xf32, #tpu.memory_space<vmem>>
        %dma_wait3A_956 = tpu.memref_squeeze %dma_wait3A_955 : memref<1x50x32xf32, #tpu.memory_space<vmem>> -> memref<50x32xf32, #tpu.memory_space<vmem>>
        tpu.wait_dma2 semaphore(%dma_wait3A_948 : memref<!tpu.dma_semaphore, #tpu.memory_space<semaphore_mem>>) src(%dma_wait3A_956 : memref<50x32xf32, #tpu.memory_space<vmem>>) dst(%dma_wait3A_952 : memref<50x32xf32, #tpu.memory_space<hbm>>)
        %add3A_957 = arith.constant 1 : i32
        %add3A_958 = arith.addi %scan3A_302, %add3A_957 : i32
        %mul3A_959 = arith.constant 8 : i32
        %mul3A_960 = arith.muli %add3A_958, %mul3A_959 : i32
        %add3A_961 = arith.constant 7 : i32
        %add3A_962 = arith.addi %mul3A_960, %add3A_961 : i32
        %dma_start3A_963 = arith.constant 7 : i32
        %dma_start3A_964 = arith.constant 7 : i32
        %dma_start3A_965 = arith.constant 0 : i32
        %dma_start3A_966 = arith.constant 0 : i32
        %dma_start3A_967 = tpu.memref_slice %arg6[%dma_start3A_963, %dma_start3A_965, %dma_start3A_966] : memref<8x50x32xf32, #tpu.memory_space<vmem>> -> memref<1x50x32xf32, #tpu.memory_space<vmem>>
        %dma_start3A_968 = tpu.memref_squeeze %dma_start3A_967 : memref<1x50x32xf32, #tpu.memory_space<vmem>> -> memref<50x32xf32, #tpu.memory_space<vmem>>
        %dma_start3A_969 = arith.constant 0 : i32
        %dma_start3A_970 = tpu.memref_slice %arg5[%add3A_962, %dma_start3A_969] : memref<512x50xi32, #tpu.memory_space<vmem>> -> memref<1x50xi32, #tpu.memory_space<vmem>>
        %dma_start3A_971 = tpu.memref_squeeze %dma_start3A_970 : memref<1x50xi32, #tpu.memory_space<vmem>> -> memref<50xi32, #tpu.memory_space<vmem>>
        %dma_start3A_972 = arith.constant 0 : i32
        %dma_start3A_973 = arith.constant 0 : i32
        %dma_start3A_974 = tpu.memref_slice %arg2[%dma_start3A_972, %dma_start3A_973] : memref<1000000x32xf32, #tpu.memory_space<hbm>> -> memref<1000000x32xf32, #tpu.memory_space<hbm>>
        %dma_start3A_975 = tpu.memref_slice %arg7[%dma_start3A_964] : memref<8x!tpu.dma_semaphore, #tpu.memory_space<semaphore_mem>> -> memref<1x!tpu.dma_semaphore, #tpu.memory_space<semaphore_mem>>
        %dma_start3A_976 = tpu.memref_squeeze %dma_start3A_975 : memref<1x!tpu.dma_semaphore, #tpu.memory_space<semaphore_mem>> -> memref<!tpu.dma_semaphore, #tpu.memory_space<semaphore_mem>>
        tpu.enqueue_indirect_dma source(%dma_start3A_974 : memref<1000000x32xf32, #tpu.memory_space<hbm>>) target(%dma_start3A_968 : memref<50x32xf32, #tpu.memory_space<vmem>>) offsets(%dma_start3A_971 : memref<50xi32, #tpu.memory_space<vmem>>) semaphore(%dma_start3A_976 : memref<!tpu.dma_semaphore, #tpu.memory_space<semaphore_mem>>)
      } else {
      }
    }
    %scan3A_126 = arith.constant 64 : i32
    %add3A_127 = arith.constant 504 : i32
    %add3A_128 = arith.addi %multiple_of3A, %add3A_127 : i32
    %dma_wait3A = arith.constant 0 : i32
    %dma_wait3A_129 = arith.constant 0 : i32
    %dma_wait3A_130 = arith.constant 0 : i32
    %dma_wait3A_131 = arith.constant 0 : i32
    %dma_wait3A_132 = tpu.memref_slice %arg6[%dma_wait3A, %dma_wait3A_130, %dma_wait3A_131] : memref<8x50x32xf32, #tpu.memory_space<vmem>> -> memref<1x50x32xf32, #tpu.memory_space<vmem>>
    %dma_wait3A_133 = tpu.memref_squeeze %dma_wait3A_132 : memref<1x50x32xf32, #tpu.memory_space<vmem>> -> memref<50x32xf32, #tpu.memory_space<vmem>>
    %dma_wait3A_134 = arith.constant 0 : i32
    %dma_wait3A_135 = arith.constant 0 : i32
    %dma_wait3A_136 = tpu.memref_slice %arg4[%add3A_128, %dma_wait3A_134, %dma_wait3A_135] : memref<16384x50x32xf32, #tpu.memory_space<hbm>> -> memref<1x50x32xf32, #tpu.memory_space<hbm>>
    %dma_wait3A_137 = tpu.memref_squeeze %dma_wait3A_136 : memref<1x50x32xf32, #tpu.memory_space<hbm>> -> memref<50x32xf32, #tpu.memory_space<hbm>>
    %dma_wait3A_138 = tpu.memref_slice %arg8[%dma_wait3A_129] : memref<8x!tpu.dma_semaphore, #tpu.memory_space<semaphore_mem>> -> memref<1x!tpu.dma_semaphore, #tpu.memory_space<semaphore_mem>>
    %dma_wait3A_139 = tpu.memref_squeeze %dma_wait3A_138 : memref<1x!tpu.dma_semaphore, #tpu.memory_space<semaphore_mem>> -> memref<!tpu.dma_semaphore, #tpu.memory_space<semaphore_mem>>
    %dma_wait3A_140 = arith.constant 0 : i32
    %dma_wait3A_141 = arith.constant 0 : i32
    %dma_wait3A_142 = tpu.memref_slice %arg4[%add3A_128, %dma_wait3A_140, %dma_wait3A_141] : memref<16384x50x32xf32, #tpu.memory_space<hbm>> -> memref<1x50x32xf32, #tpu.memory_space<hbm>>
    %dma_wait3A_143 = tpu.memref_squeeze %dma_wait3A_142 : memref<1x50x32xf32, #tpu.memory_space<hbm>> -> memref<50x32xf32, #tpu.memory_space<hbm>>
    %dma_wait3A_144 = arith.constant 0 : i32
    %dma_wait3A_145 = arith.constant 0 : i32
    %dma_wait3A_146 = tpu.memref_slice %arg6[%dma_wait3A, %dma_wait3A_144, %dma_wait3A_145] : memref<8x50x32xf32, #tpu.memory_space<vmem>> -> memref<1x50x32xf32, #tpu.memory_space<vmem>>
    %dma_wait3A_147 = tpu.memref_squeeze %dma_wait3A_146 : memref<1x50x32xf32, #tpu.memory_space<vmem>> -> memref<50x32xf32, #tpu.memory_space<vmem>>
    tpu.wait_dma2 semaphore(%dma_wait3A_139 : memref<!tpu.dma_semaphore, #tpu.memory_space<semaphore_mem>>) src(%dma_wait3A_147 : memref<50x32xf32, #tpu.memory_space<vmem>>) dst(%dma_wait3A_143 : memref<50x32xf32, #tpu.memory_space<hbm>>)
    %add3A_148 = arith.constant 505 : i32
    %add3A_149 = arith.addi %multiple_of3A, %add3A_148 : i32
    %dma_wait3A_150 = arith.constant 1 : i32
    %dma_wait3A_151 = arith.constant 1 : i32
    %dma_wait3A_152 = arith.constant 0 : i32
    %dma_wait3A_153 = arith.constant 0 : i32
    %dma_wait3A_154 = tpu.memref_slice %arg6[%dma_wait3A_150, %dma_wait3A_152, %dma_wait3A_153] : memref<8x50x32xf32, #tpu.memory_space<vmem>> -> memref<1x50x32xf32, #tpu.memory_space<vmem>>
    %dma_wait3A_155 = tpu.memref_squeeze %dma_wait3A_154 : memref<1x50x32xf32, #tpu.memory_space<vmem>> -> memref<50x32xf32, #tpu.memory_space<vmem>>
    %dma_wait3A_156 = arith.constant 0 : i32
    %dma_wait3A_157 = arith.constant 0 : i32
    %dma_wait3A_158 = tpu.memref_slice %arg4[%add3A_149, %dma_wait3A_156, %dma_wait3A_157] : memref<16384x50x32xf32, #tpu.memory_space<hbm>> -> memref<1x50x32xf32, #tpu.memory_space<hbm>>
    %dma_wait3A_159 = tpu.memref_squeeze %dma_wait3A_158 : memref<1x50x32xf32, #tpu.memory_space<hbm>> -> memref<50x32xf32, #tpu.memory_space<hbm>>
    %dma_wait3A_160 = tpu.memref_slice %arg8[%dma_wait3A_151] : memref<8x!tpu.dma_semaphore, #tpu.memory_space<semaphore_mem>> -> memref<1x!tpu.dma_semaphore, #tpu.memory_space<semaphore_mem>>
    %dma_wait3A_161 = tpu.memref_squeeze %dma_wait3A_160 : memref<1x!tpu.dma_semaphore, #tpu.memory_space<semaphore_mem>> -> memref<!tpu.dma_semaphore, #tpu.memory_space<semaphore_mem>>
    %dma_wait3A_162 = arith.constant 0 : i32
    %dma_wait3A_163 = arith.constant 0 : i32
    %dma_wait3A_164 = tpu.memref_slice %arg4[%add3A_149, %dma_wait3A_162, %dma_wait3A_163] : memref<16384x50x32xf32, #tpu.memory_space<hbm>> -> memref<1x50x32xf32, #tpu.memory_space<hbm>>
    %dma_wait3A_165 = tpu.memref_squeeze %dma_wait3A_164 : memref<1x50x32xf32, #tpu.memory_space<hbm>> -> memref<50x32xf32, #tpu.memory_space<hbm>>
    %dma_wait3A_166 = arith.constant 0 : i32
    %dma_wait3A_167 = arith.constant 0 : i32
    %dma_wait3A_168 = tpu.memref_slice %arg6[%dma_wait3A_150, %dma_wait3A_166, %dma_wait3A_167] : memref<8x50x32xf32, #tpu.memory_space<vmem>> -> memref<1x50x32xf32, #tpu.memory_space<vmem>>
    %dma_wait3A_169 = tpu.memref_squeeze %dma_wait3A_168 : memref<1x50x32xf32, #tpu.memory_space<vmem>> -> memref<50x32xf32, #tpu.memory_space<vmem>>
    tpu.wait_dma2 semaphore(%dma_wait3A_161 : memref<!tpu.dma_semaphore, #tpu.memory_space<semaphore_mem>>) src(%dma_wait3A_169 : memref<50x32xf32, #tpu.memory_space<vmem>>) dst(%dma_wait3A_165 : memref<50x32xf32, #tpu.memory_space<hbm>>)
    %add3A_170 = arith.constant 506 : i32
    %add3A_171 = arith.addi %multiple_of3A, %add3A_170 : i32
    %dma_wait3A_172 = arith.constant 2 : i32
    %dma_wait3A_173 = arith.constant 2 : i32
    %dma_wait3A_174 = arith.constant 0 : i32
    %dma_wait3A_175 = arith.constant 0 : i32
    %dma_wait3A_176 = tpu.memref_slice %arg6[%dma_wait3A_172, %dma_wait3A_174, %dma_wait3A_175] : memref<8x50x32xf32, #tpu.memory_space<vmem>> -> memref<1x50x32xf32, #tpu.memory_space<vmem>>
    %dma_wait3A_177 = tpu.memref_squeeze %dma_wait3A_176 : memref<1x50x32xf32, #tpu.memory_space<vmem>> -> memref<50x32xf32, #tpu.memory_space<vmem>>
    %dma_wait3A_178 = arith.constant 0 : i32
    %dma_wait3A_179 = arith.constant 0 : i32
    %dma_wait3A_180 = tpu.memref_slice %arg4[%add3A_171, %dma_wait3A_178, %dma_wait3A_179] : memref<16384x50x32xf32, #tpu.memory_space<hbm>> -> memref<1x50x32xf32, #tpu.memory_space<hbm>>
    %dma_wait3A_181 = tpu.memref_squeeze %dma_wait3A_180 : memref<1x50x32xf32, #tpu.memory_space<hbm>> -> memref<50x32xf32, #tpu.memory_space<hbm>>
    %dma_wait3A_182 = tpu.memref_slice %arg8[%dma_wait3A_173] : memref<8x!tpu.dma_semaphore, #tpu.memory_space<semaphore_mem>> -> memref<1x!tpu.dma_semaphore, #tpu.memory_space<semaphore_mem>>
    %dma_wait3A_183 = tpu.memref_squeeze %dma_wait3A_182 : memref<1x!tpu.dma_semaphore, #tpu.memory_space<semaphore_mem>> -> memref<!tpu.dma_semaphore, #tpu.memory_space<semaphore_mem>>
    %dma_wait3A_184 = arith.constant 0 : i32
    %dma_wait3A_185 = arith.constant 0 : i32
    %dma_wait3A_186 = tpu.memref_slice %arg4[%add3A_171, %dma_wait3A_184, %dma_wait3A_185] : memref<16384x50x32xf32, #tpu.memory_space<hbm>> -> memref<1x50x32xf32, #tpu.memory_space<hbm>>
    %dma_wait3A_187 = tpu.memref_squeeze %dma_wait3A_186 : memref<1x50x32xf32, #tpu.memory_space<hbm>> -> memref<50x32xf32, #tpu.memory_space<hbm>>
    %dma_wait3A_188 = arith.constant 0 : i32
    %dma_wait3A_189 = arith.constant 0 : i32
    %dma_wait3A_190 = tpu.memref_slice %arg6[%dma_wait3A_172, %dma_wait3A_188, %dma_wait3A_189] : memref<8x50x32xf32, #tpu.memory_space<vmem>> -> memref<1x50x32xf32, #tpu.memory_space<vmem>>
    %dma_wait3A_191 = tpu.memref_squeeze %dma_wait3A_190 : memref<1x50x32xf32, #tpu.memory_space<vmem>> -> memref<50x32xf32, #tpu.memory_space<vmem>>
    tpu.wait_dma2 semaphore(%dma_wait3A_183 : memref<!tpu.dma_semaphore, #tpu.memory_space<semaphore_mem>>) src(%dma_wait3A_191 : memref<50x32xf32, #tpu.memory_space<vmem>>) dst(%dma_wait3A_187 : memref<50x32xf32, #tpu.memory_space<hbm>>)
    %add3A_192 = arith.constant 507 : i32
    %add3A_193 = arith.addi %multiple_of3A, %add3A_192 : i32
    %dma_wait3A_194 = arith.constant 3 : i32
    %dma_wait3A_195 = arith.constant 3 : i32
    %dma_wait3A_196 = arith.constant 0 : i32
    %dma_wait3A_197 = arith.constant 0 : i32
    %dma_wait3A_198 = tpu.memref_slice %arg6[%dma_wait3A_194, %dma_wait3A_196, %dma_wait3A_197] : memref<8x50x32xf32, #tpu.memory_space<vmem>> -> memref<1x50x32xf32, #tpu.memory_space<vmem>>
    %dma_wait3A_199 = tpu.memref_squeeze %dma_wait3A_198 : memref<1x50x32xf32, #tpu.memory_space<vmem>> -> memref<50x32xf32, #tpu.memory_space<vmem>>
    %dma_wait3A_200 = arith.constant 0 : i32
    %dma_wait3A_201 = arith.constant 0 : i32
    %dma_wait3A_202 = tpu.memref_slice %arg4[%add3A_193, %dma_wait3A_200, %dma_wait3A_201] : memref<16384x50x32xf32, #tpu.memory_space<hbm>> -> memref<1x50x32xf32, #tpu.memory_space<hbm>>
    %dma_wait3A_203 = tpu.memref_squeeze %dma_wait3A_202 : memref<1x50x32xf32, #tpu.memory_space<hbm>> -> memref<50x32xf32, #tpu.memory_space<hbm>>
    %dma_wait3A_204 = tpu.memref_slice %arg8[%dma_wait3A_195] : memref<8x!tpu.dma_semaphore, #tpu.memory_space<semaphore_mem>> -> memref<1x!tpu.dma_semaphore, #tpu.memory_space<semaphore_mem>>
    %dma_wait3A_205 = tpu.memref_squeeze %dma_wait3A_204 : memref<1x!tpu.dma_semaphore, #tpu.memory_space<semaphore_mem>> -> memref<!tpu.dma_semaphore, #tpu.memory_space<semaphore_mem>>
    %dma_wait3A_206 = arith.constant 0 : i32
    %dma_wait3A_207 = arith.constant 0 : i32
    %dma_wait3A_208 = tpu.memref_slice %arg4[%add3A_193, %dma_wait3A_206, %dma_wait3A_207] : memref<16384x50x32xf32, #tpu.memory_space<hbm>> -> memref<1x50x32xf32, #tpu.memory_space<hbm>>
    %dma_wait3A_209 = tpu.memref_squeeze %dma_wait3A_208 : memref<1x50x32xf32, #tpu.memory_space<hbm>> -> memref<50x32xf32, #tpu.memory_space<hbm>>
    %dma_wait3A_210 = arith.constant 0 : i32
    %dma_wait3A_211 = arith.constant 0 : i32
    %dma_wait3A_212 = tpu.memref_slice %arg6[%dma_wait3A_194, %dma_wait3A_210, %dma_wait3A_211] : memref<8x50x32xf32, #tpu.memory_space<vmem>> -> memref<1x50x32xf32, #tpu.memory_space<vmem>>
    %dma_wait3A_213 = tpu.memref_squeeze %dma_wait3A_212 : memref<1x50x32xf32, #tpu.memory_space<vmem>> -> memref<50x32xf32, #tpu.memory_space<vmem>>
    tpu.wait_dma2 semaphore(%dma_wait3A_205 : memref<!tpu.dma_semaphore, #tpu.memory_space<semaphore_mem>>) src(%dma_wait3A_213 : memref<50x32xf32, #tpu.memory_space<vmem>>) dst(%dma_wait3A_209 : memref<50x32xf32, #tpu.memory_space<hbm>>)
    %add3A_214 = arith.constant 508 : i32
    %add3A_215 = arith.addi %multiple_of3A, %add3A_214 : i32
    %dma_wait3A_216 = arith.constant 4 : i32
    %dma_wait3A_217 = arith.constant 4 : i32
    %dma_wait3A_218 = arith.constant 0 : i32
    %dma_wait3A_219 = arith.constant 0 : i32
    %dma_wait3A_220 = tpu.memref_slice %arg6[%dma_wait3A_216, %dma_wait3A_218, %dma_wait3A_219] : memref<8x50x32xf32, #tpu.memory_space<vmem>> -> memref<1x50x32xf32, #tpu.memory_space<vmem>>
    %dma_wait3A_221 = tpu.memref_squeeze %dma_wait3A_220 : memref<1x50x32xf32, #tpu.memory_space<vmem>> -> memref<50x32xf32, #tpu.memory_space<vmem>>
    %dma_wait3A_222 = arith.constant 0 : i32
    %dma_wait3A_223 = arith.constant 0 : i32
    %dma_wait3A_224 = tpu.memref_slice %arg4[%add3A_215, %dma_wait3A_222, %dma_wait3A_223] : memref<16384x50x32xf32, #tpu.memory_space<hbm>> -> memref<1x50x32xf32, #tpu.memory_space<hbm>>
    %dma_wait3A_225 = tpu.memref_squeeze %dma_wait3A_224 : memref<1x50x32xf32, #tpu.memory_space<hbm>> -> memref<50x32xf32, #tpu.memory_space<hbm>>
    %dma_wait3A_226 = tpu.memref_slice %arg8[%dma_wait3A_217] : memref<8x!tpu.dma_semaphore, #tpu.memory_space<semaphore_mem>> -> memref<1x!tpu.dma_semaphore, #tpu.memory_space<semaphore_mem>>
    %dma_wait3A_227 = tpu.memref_squeeze %dma_wait3A_226 : memref<1x!tpu.dma_semaphore, #tpu.memory_space<semaphore_mem>> -> memref<!tpu.dma_semaphore, #tpu.memory_space<semaphore_mem>>
    %dma_wait3A_228 = arith.constant 0 : i32
    %dma_wait3A_229 = arith.constant 0 : i32
    %dma_wait3A_230 = tpu.memref_slice %arg4[%add3A_215, %dma_wait3A_228, %dma_wait3A_229] : memref<16384x50x32xf32, #tpu.memory_space<hbm>> -> memref<1x50x32xf32, #tpu.memory_space<hbm>>
    %dma_wait3A_231 = tpu.memref_squeeze %dma_wait3A_230 : memref<1x50x32xf32, #tpu.memory_space<hbm>> -> memref<50x32xf32, #tpu.memory_space<hbm>>
    %dma_wait3A_232 = arith.constant 0 : i32
    %dma_wait3A_233 = arith.constant 0 : i32
    %dma_wait3A_234 = tpu.memref_slice %arg6[%dma_wait3A_216, %dma_wait3A_232, %dma_wait3A_233] : memref<8x50x32xf32, #tpu.memory_space<vmem>> -> memref<1x50x32xf32, #tpu.memory_space<vmem>>
    %dma_wait3A_235 = tpu.memref_squeeze %dma_wait3A_234 : memref<1x50x32xf32, #tpu.memory_space<vmem>> -> memref<50x32xf32, #tpu.memory_space<vmem>>
    tpu.wait_dma2 semaphore(%dma_wait3A_227 : memref<!tpu.dma_semaphore, #tpu.memory_space<semaphore_mem>>) src(%dma_wait3A_235 : memref<50x32xf32, #tpu.memory_space<vmem>>) dst(%dma_wait3A_231 : memref<50x32xf32, #tpu.memory_space<hbm>>)
    %add3A_236 = arith.constant 509 : i32
    %add3A_237 = arith.addi %multiple_of3A, %add3A_236 : i32
    %dma_wait3A_238 = arith.constant 5 : i32
    %dma_wait3A_239 = arith.constant 5 : i32
    %dma_wait3A_240 = arith.constant 0 : i32
    %dma_wait3A_241 = arith.constant 0 : i32
    %dma_wait3A_242 = tpu.memref_slice %arg6[%dma_wait3A_238, %dma_wait3A_240, %dma_wait3A_241] : memref<8x50x32xf32, #tpu.memory_space<vmem>> -> memref<1x50x32xf32, #tpu.memory_space<vmem>>
    %dma_wait3A_243 = tpu.memref_squeeze %dma_wait3A_242 : memref<1x50x32xf32, #tpu.memory_space<vmem>> -> memref<50x32xf32, #tpu.memory_space<vmem>>
    %dma_wait3A_244 = arith.constant 0 : i32
    %dma_wait3A_245 = arith.constant 0 : i32
    %dma_wait3A_246 = tpu.memref_slice %arg4[%add3A_237, %dma_wait3A_244, %dma_wait3A_245] : memref<16384x50x32xf32, #tpu.memory_space<hbm>> -> memref<1x50x32xf32, #tpu.memory_space<hbm>>
    %dma_wait3A_247 = tpu.memref_squeeze %dma_wait3A_246 : memref<1x50x32xf32, #tpu.memory_space<hbm>> -> memref<50x32xf32, #tpu.memory_space<hbm>>
    %dma_wait3A_248 = tpu.memref_slice %arg8[%dma_wait3A_239] : memref<8x!tpu.dma_semaphore, #tpu.memory_space<semaphore_mem>> -> memref<1x!tpu.dma_semaphore, #tpu.memory_space<semaphore_mem>>
    %dma_wait3A_249 = tpu.memref_squeeze %dma_wait3A_248 : memref<1x!tpu.dma_semaphore, #tpu.memory_space<semaphore_mem>> -> memref<!tpu.dma_semaphore, #tpu.memory_space<semaphore_mem>>
    %dma_wait3A_250 = arith.constant 0 : i32
    %dma_wait3A_251 = arith.constant 0 : i32
    %dma_wait3A_252 = tpu.memref_slice %arg4[%add3A_237, %dma_wait3A_250, %dma_wait3A_251] : memref<16384x50x32xf32, #tpu.memory_space<hbm>> -> memref<1x50x32xf32, #tpu.memory_space<hbm>>
    %dma_wait3A_253 = tpu.memref_squeeze %dma_wait3A_252 : memref<1x50x32xf32, #tpu.memory_space<hbm>> -> memref<50x32xf32, #tpu.memory_space<hbm>>
    %dma_wait3A_254 = arith.constant 0 : i32
    %dma_wait3A_255 = arith.constant 0 : i32
    %dma_wait3A_256 = tpu.memref_slice %arg6[%dma_wait3A_238, %dma_wait3A_254, %dma_wait3A_255] : memref<8x50x32xf32, #tpu.memory_space<vmem>> -> memref<1x50x32xf32, #tpu.memory_space<vmem>>
    %dma_wait3A_257 = tpu.memref_squeeze %dma_wait3A_256 : memref<1x50x32xf32, #tpu.memory_space<vmem>> -> memref<50x32xf32, #tpu.memory_space<vmem>>
    tpu.wait_dma2 semaphore(%dma_wait3A_249 : memref<!tpu.dma_semaphore, #tpu.memory_space<semaphore_mem>>) src(%dma_wait3A_257 : memref<50x32xf32, #tpu.memory_space<vmem>>) dst(%dma_wait3A_253 : memref<50x32xf32, #tpu.memory_space<hbm>>)
    %add3A_258 = arith.constant 510 : i32
    %add3A_259 = arith.addi %multiple_of3A, %add3A_258 : i32
    %dma_wait3A_260 = arith.constant 6 : i32
    %dma_wait3A_261 = arith.constant 6 : i32
    %dma_wait3A_262 = arith.constant 0 : i32
    %dma_wait3A_263 = arith.constant 0 : i32
    %dma_wait3A_264 = tpu.memref_slice %arg6[%dma_wait3A_260, %dma_wait3A_262, %dma_wait3A_263] : memref<8x50x32xf32, #tpu.memory_space<vmem>> -> memref<1x50x32xf32, #tpu.memory_space<vmem>>
    %dma_wait3A_265 = tpu.memref_squeeze %dma_wait3A_264 : memref<1x50x32xf32, #tpu.memory_space<vmem>> -> memref<50x32xf32, #tpu.memory_space<vmem>>
    %dma_wait3A_266 = arith.constant 0 : i32
    %dma_wait3A_267 = arith.constant 0 : i32
    %dma_wait3A_268 = tpu.memref_slice %arg4[%add3A_259, %dma_wait3A_266, %dma_wait3A_267] : memref<16384x50x32xf32, #tpu.memory_space<hbm>> -> memref<1x50x32xf32, #tpu.memory_space<hbm>>
    %dma_wait3A_269 = tpu.memref_squeeze %dma_wait3A_268 : memref<1x50x32xf32, #tpu.memory_space<hbm>> -> memref<50x32xf32, #tpu.memory_space<hbm>>
    %dma_wait3A_270 = tpu.memref_slice %arg8[%dma_wait3A_261] : memref<8x!tpu.dma_semaphore, #tpu.memory_space<semaphore_mem>> -> memref<1x!tpu.dma_semaphore, #tpu.memory_space<semaphore_mem>>
    %dma_wait3A_271 = tpu.memref_squeeze %dma_wait3A_270 : memref<1x!tpu.dma_semaphore, #tpu.memory_space<semaphore_mem>> -> memref<!tpu.dma_semaphore, #tpu.memory_space<semaphore_mem>>
    %dma_wait3A_272 = arith.constant 0 : i32
    %dma_wait3A_273 = arith.constant 0 : i32
    %dma_wait3A_274 = tpu.memref_slice %arg4[%add3A_259, %dma_wait3A_272, %dma_wait3A_273] : memref<16384x50x32xf32, #tpu.memory_space<hbm>> -> memref<1x50x32xf32, #tpu.memory_space<hbm>>
    %dma_wait3A_275 = tpu.memref_squeeze %dma_wait3A_274 : memref<1x50x32xf32, #tpu.memory_space<hbm>> -> memref<50x32xf32, #tpu.memory_space<hbm>>
    %dma_wait3A_276 = arith.constant 0 : i32
    %dma_wait3A_277 = arith.constant 0 : i32
    %dma_wait3A_278 = tpu.memref_slice %arg6[%dma_wait3A_260, %dma_wait3A_276, %dma_wait3A_277] : memref<8x50x32xf32, #tpu.memory_space<vmem>> -> memref<1x50x32xf32, #tpu.memory_space<vmem>>
    %dma_wait3A_279 = tpu.memref_squeeze %dma_wait3A_278 : memref<1x50x32xf32, #tpu.memory_space<vmem>> -> memref<50x32xf32, #tpu.memory_space<vmem>>
    tpu.wait_dma2 semaphore(%dma_wait3A_271 : memref<!tpu.dma_semaphore, #tpu.memory_space<semaphore_mem>>) src(%dma_wait3A_279 : memref<50x32xf32, #tpu.memory_space<vmem>>) dst(%dma_wait3A_275 : memref<50x32xf32, #tpu.memory_space<hbm>>)
    %add3A_280 = arith.constant 511 : i32
    %add3A_281 = arith.addi %multiple_of3A, %add3A_280 : i32
    %dma_wait3A_282 = arith.constant 7 : i32
    %dma_wait3A_283 = arith.constant 7 : i32
    %dma_wait3A_284 = arith.constant 0 : i32
    %dma_wait3A_285 = arith.constant 0 : i32
    %dma_wait3A_286 = tpu.memref_slice %arg6[%dma_wait3A_282, %dma_wait3A_284, %dma_wait3A_285] : memref<8x50x32xf32, #tpu.memory_space<vmem>> -> memref<1x50x32xf32, #tpu.memory_space<vmem>>
    %dma_wait3A_287 = tpu.memref_squeeze %dma_wait3A_286 : memref<1x50x32xf32, #tpu.memory_space<vmem>> -> memref<50x32xf32, #tpu.memory_space<vmem>>
    %dma_wait3A_288 = arith.constant 0 : i32
    %dma_wait3A_289 = arith.constant 0 : i32
    %dma_wait3A_290 = tpu.memref_slice %arg4[%add3A_281, %dma_wait3A_288, %dma_wait3A_289] : memref<16384x50x32xf32, #tpu.memory_space<hbm>> -> memref<1x50x32xf32, #tpu.memory_space<hbm>>
    %dma_wait3A_291 = tpu.memref_squeeze %dma_wait3A_290 : memref<1x50x32xf32, #tpu.memory_space<hbm>> -> memref<50x32xf32, #tpu.memory_space<hbm>>
    %dma_wait3A_292 = tpu.memref_slice %arg8[%dma_wait3A_283] : memref<8x!tpu.dma_semaphore, #tpu.memory_space<semaphore_mem>> -> memref<1x!tpu.dma_semaphore, #tpu.memory_space<semaphore_mem>>
    %dma_wait3A_293 = tpu.memref_squeeze %dma_wait3A_292 : memref<1x!tpu.dma_semaphore, #tpu.memory_space<semaphore_mem>> -> memref<!tpu.dma_semaphore, #tpu.memory_space<semaphore_mem>>
    %dma_wait3A_294 = arith.constant 0 : i32
    %dma_wait3A_295 = arith.constant 0 : i32
    %dma_wait3A_296 = tpu.memref_slice %arg4[%add3A_281, %dma_wait3A_294, %dma_wait3A_295] : memref<16384x50x32xf32, #tpu.memory_space<hbm>> -> memref<1x50x32xf32, #tpu.memory_space<hbm>>
    %dma_wait3A_297 = tpu.memref_squeeze %dma_wait3A_296 : memref<1x50x32xf32, #tpu.memory_space<hbm>> -> memref<50x32xf32, #tpu.memory_space<hbm>>
    %dma_wait3A_298 = arith.constant 0 : i32
    %dma_wait3A_299 = arith.constant 0 : i32
    %dma_wait3A_300 = tpu.memref_slice %arg6[%dma_wait3A_282, %dma_wait3A_298, %dma_wait3A_299] : memref<8x50x32xf32, #tpu.memory_space<vmem>> -> memref<1x50x32xf32, #tpu.memory_space<vmem>>
    %dma_wait3A_301 = tpu.memref_squeeze %dma_wait3A_300 : memref<1x50x32xf32, #tpu.memory_space<vmem>> -> memref<50x32xf32, #tpu.memory_space<vmem>>
    tpu.wait_dma2 semaphore(%dma_wait3A_293 : memref<!tpu.dma_semaphore, #tpu.memory_space<semaphore_mem>>) src(%dma_wait3A_301 : memref<50x32xf32, #tpu.memory_space<vmem>>) dst(%dma_wait3A_297 : memref<50x32xf32, #tpu.memory_space<hbm>>)
    return
  }
}

</mosaic_0001>

<sc_bundles>
// kernel: kernel.3.cloned.1.call-start
scs
__scs_entry_jumppad:
0x0: {  	(pc) =	sbr.rel $0x88, $3  }
0x1: {  	(tag) =	ssettag $0x0;
	lr =	simm.s32 $0x1  }
0x2: {  	[smem:$0x3F9F] =	sst lr;
	_ =	strace $0xD0000000  }
0x3: {  	_ = 	snop  }
0x4: {  	_ = 	snop  }
0x5: {  	_ = 	snop  }
0x6: {  	_ = 	snop  }
0x7: {  	_ = 	snop  }
__scs_overlays_trampoline_lowered:
0x8: {  	[smem:$0x3FAE] =	sst s0  }
0x9: {  	[smem:$0x3FAF] =	sst s1  }
0xa: {  	[smem:$0x3FB0] =	sst s2  }
0xb: {  	[smem:$0x3FB1] =	sst s3  }
0xc: {  	[smem:$0x3FB2] =	sst s4  }
0xd: {  	[smem:$0x3FB3] =	sst s5  }
0xe: {  	[smem:$0x3FB4] =	sst s6  }
0xf: {  	[smem:$0x3FB5] =	sst s7  }
0x10: {  	[smem:$0x3FB6] =	sst s8  }
0x11: {  	[smem:$0x3FB7] =	sst s9;
	s0 =	simm.s32 @!p0 $0x0  }
0x12: {  	s1 =	sld [smem:$0x3F9D];
	s0 =	simm.s32 @p0 $0x1  }
0x13: {  	[smem:$0x3FB8] =	sst s0;
	s0 =	simm.s32 @!p1 $0x0  }
0x14: {  	s2 =	sld [smem:$0x3F9C];
	s0 =	simm.s32 @p1 $0x1  }
0x15: {  	[smem:$0x3FB9] =	sst s0;
	s0 =	simm.s32 @!p2 $0x0  }
0x16: {  	s3 =	sld [smem:$0x3FDB];
	s0 =	simm.s32 @p2 $0x1  }
0x17: {  	s4 =	simm.s32 $0x1BF5;
	[smem:$0x3FBB] =	sst s0  }
0x18: {  	s0 =	sld [smem:$0x3F9E];
	_ =	swait.ge [sflag:s4], $0x0  }
0x19: {  	s7 =	sld [smem:$0x3F9F]  }
0x1a: {  	s8 =	sadd.s32 $0xFFFFE003, lr  }
0x1b: {  	s9 =	sadd.s32 $0xFFFFFEF7, lr;
	s5 =	simm.s32 $0xFFFFFFFF;
	p2 =	slt.u32 s8, $0xFFFFF086  }
0x1c: {  	p1 =	slt.u32 s9, $0xF7A;
	s5 =	simm.s32 @!p2 $0x0  }
0x1d: {  	s5 =	simm.s32 @p1 $0x1;
	p0 =	seq.s32 s7, s2  }
0x1e: {  	s7 =	smul.u32 @!p0 $0xF7A, s2;
	p2 =	seq.s32 @!p0 s5, $0x0  }
0x1f: {  	s9 =	smul.u32 $0xF7A, s1;
	s8 =	simm.s32 @!p0 $0x1BF5;
	p2 =	por !p2, p0  }
0x20: {  	[sflag:s8] =	ssyncset.s32 @!p0 $0xFFFFF086;
	s6 =	sadd.s32 @!p0 s3, s7;
	s7 =	simm.s32 @!p0 $0x108  }
0x21: {  	s3 =	sadd.s32 s3, s9;
	s6 =	sadd.s32 @!p0 $0x88, s6;
	s7 =	simm.s32 @p2 $0x1082  }
0x22: {  	[simem:s7], [sflag:s8] =	dma.local @!p0 [hbm:s6], $0xF7A  }
0x23: {  	s9 =	sor.u32 $0xD0000000, s2;
	s6 =	simm.s32 $0x108;
	_ =	swait.ge @!p0 [sflag:s8], $0x0  }
0x24: {  	s3 =	sadd.s32 $0x88, s3;
	s6 =	simm.s32 @!p1 $0x1082;
	[sflag:s4] =	ssyncset.s32 $0xFFFFF086  }
0x25: {  	[simem:s6], [sflag:s4] =	dma.local [hbm:s3], $0xF7A  }
0x26: {  	[smem:$0x3F9F] =	sst s1;
	(tag) =	ssettag s2;
	_ =	strace s9  }
0x27: {  	s1 =	sld [smem:$0x3FAF]  }
0x28: {  	s2 =	sld [smem:$0x3FB0]  }
0x29: {  	s4 =	sld [smem:$0x3FB2]  }
0x2a: {  	p0 =	seq.s32 s5, $0x0;
	s5 =	sld [smem:$0x3FB3]  }
0x2b: {  	s6 =	sld [smem:$0x3FB4]  }
0x2c: {  	s7 =	sld [smem:$0x3FB5]  }
0x2d: {  	s3 =	simm.s32 $0x108;
	s8 =	sld [smem:$0x3FB6]  }
0x2e: {  	s3 =	simm.s32 @!p0 $0x1082;
	s9 =	sld [smem:$0x3FB7]  }
0x2f: {  	lr =	sadd.s32 s0, s3;
	s0 =	sld [smem:$0x3FAE]  }
0x30: {  	s3 =	sld [smem:$0x3FB1]  }
0x31: {  	[smem:$0x3FBA] =	sst s10  }
0x32: {  	s10 =	sld [smem:$0x3FB8];
	_ =	sdelay $0x3  }
0x33: {  	p0 =	seq.s32 s10, $0x1;
	s10 =	sld [smem:$0x3FBA];
	_ =	sdelay $0x3  }
0x34: {  	[smem:$0x3FBA] =	sst s10  }
0x35: {  	s10 =	sld [smem:$0x3FB9];
	_ =	sdelay $0x3  }
0x36: {  	p1 =	seq.s32 s10, $0x1;
	s10 =	sld [smem:$0x3FBA];
	_ =	sdelay $0x3  }
0x37: {  	[smem:$0x3FBA] =	sst s10  }
0x38: {  	s10 =	sld [smem:$0x3FBB]  }
0x39: {  	_ = 	snop;
	(pc) =	sbr.ind lr, $3  }
0x3a: {  	_ = 	snop  }
0x3b: {  	_ = 	snop  }
0x3c: {  	p2 =	seq.s32 s10, $0x1;
	s10 =	sld [smem:$0x3FBA]  }
0x3d: {  	_ =	shalt  }
0x3e: {  	_ =	shalt  }
0x3f: {  	_ =	shalt  }
0x40: {  	_ =	shalt  }
0x41: {  	_ =	shalt  }
0x42: {  	_ =	shalt  }
0x43: {  	_ =	shalt  }
0x44: {  	_ =	shalt  }
0x45: {  	_ =	shalt  }
0x46: {  	_ =	shalt  }
0x47: {  	_ =	shalt  }
0x48: {  	_ =	shalt  }
0x49: {  	_ =	shalt  }
0x4a: {  	_ =	shalt  }
0x4b: {  	_ =	shalt  }
0x4c: {  	_ =	shalt  }
0x4d: {  	_ =	shalt  }
0x4e: {  	_ =	shalt  }
0x4f: {  	_ =	shalt  }
0x50: {  	_ =	shalt  }
0x51: {  	_ =	shalt  }
0x52: {  	_ =	shalt  }
0x53: {  	_ =	shalt  }
0x54: {  	_ =	shalt  }
0x55: {  	_ =	shalt  }
0x56: {  	_ =	shalt  }
0x57: {  	_ =	shalt  }
0x58: {  	_ =	shalt  }
0x59: {  	_ =	shalt  }
0x5a: {  	_ =	shalt  }
0x5b: {  	_ =	shalt  }
0x5c: {  	_ =	shalt  }
0x5d: {  	_ =	shalt  }
0x5e: {  	_ =	shalt  }
0x5f: {  	_ =	shalt  }
0x60: {  	_ =	shalt  }
0x61: {  	_ =	shalt  }
0x62: {  	_ =	shalt  }
0x63: {  	_ =	shalt  }
0x64: {  	_ =	shalt  }
0x65: {  	_ =	shalt  }
0x66: {  	_ =	shalt  }
0x67: {  	_ =	shalt  }
0x68: {  	_ =	shalt  }
0x69: {  	_ =	shalt  }
0x6a: {  	_ =	shalt  }
0x6b: {  	_ =	shalt  }
0x6c: {  	_ =	shalt  }
0x6d: {  	_ =	shalt  }
0x6e: {  	_ =	shalt  }
0x6f: {  	_ =	shalt  }
0x70: {  	_ =	shalt  }
0x71: {  	_ =	shalt  }
0x72: {  	_ =	shalt  }
0x73: {  	_ =	shalt  }
0x74: {  	_ =	shalt  }
0x75: {  	_ =	shalt  }
0x76: {  	_ =	shalt  }
0x77: {  	_ =	shalt  }
0x78: {  	_ =	shalt  }
0x79: {  	_ =	shalt  }
0x7a: {  	_ =	shalt  }
0x7b: {  	_ =	shalt  }
0x7c: {  	_ =	shalt  }
0x7d: {  	_ =	shalt  }
0x7e: {  	_ =	shalt  }
0x7f: {  	_ =	shalt  }
0x80: {  	_ =	shalt  }
0x81: {  	_ =	shalt  }
0x82: {  	_ =	shalt  }
0x83: {  	_ =	shalt  }
0x84: {  	_ =	shalt  }
0x85: {  	_ =	shalt  }
0x86: {  	_ =	shalt  }
0x87: {  	_ =	shalt  }
.Lfunc_end0:
.L_simem_size_0:
called_computation.1_lowered:
.L_overlay_start_0:
0x88: {  	s2 =	sld [smem:$0x3FD9]  }
0x89: {  	s3 =	sld [smem:$0x3FFE];
	_ =	sdelay $0x1  }
0x8a: {  	s1 =	srdreg.scid  }
0x8b: {  	s0 =	sand.u32 $0x1, s1  }
0x8c: {  	s17 =	sshll.u32 s0, $0xA;
	s2 =	sadd.s32 s3, s2  }
0x8d: {  	s2 =	sadd.s32 s2, s17  }
0x8e: {  	[smem:$0x3FC6] =	sst s2  }
0x8f: {  	_ = 	snop  }
0x90: {  	s2 =	sld [smem:$0x3FD0];
	(tm) =	ssettm $0x1  }
0x91: {  	s18 =	sld [smem:$0x3FFB];
	_ =	sdelay $0x3  }
0x92: {  	_ =	strace s18  }
0x93: {  	s3 =	sld [smem:$0x3FFC];
	_ =	sdelay $0x3  }
0x94: {  	_ =	strace s3  }
0x95: {  	s3 =	sld [smem:$0x3FFD];
	_ =	sdelay $0x3  }
0x96: {  	_ =	strace s3  }
0x97: {  	_ =	strace $0x8FFFFFFF  }
0x98: {  	s19 =	sld [smem:$0x3FDB];
	_ =	sdelay $0x1  }
0x99: {  	s4 =	simm.s32 $_scs_section_size  }
0x9a: {  	s5 =	simm.s32 $_size__tile_overlayer_lowered;
	s6 =	simm.s32 $_tile_overlayer_lowered  }
0x9b: {  	s22 =	simm.s32 $0x1BFF;
	s21 =	sshll.u32 s6, $0x1;
	s3 =	sadd.s32 s4, s19  }
0x9c: {  	s7 =	simm.s32 $0x0;
	s20 =	sshll.u32 s5, $0x1;
	s5 =	sadd.s32 s21, s3  }
0x9d: {  	[timem:s7], [sflag:s22] =	dma.local [hbm:s5], s20  }
0x9e: {  	_ =	swait.ge [sflag:s22], s20  }
0x9f: {  	s4 =	ssub.s32 $0x0, s20;
	[sflag:s22] =	ssyncset.done $0x0  }
0xa0: {  	[sflag:s22] =	ssyncadd.s32 s4;
	_ =	sdelay $0x1  }
0xa1: {  	s23 =	simm.s32 $0x1B8B  }
0xa2: {  	_ =	swait.ge [sflag:s23], $0x1  }
0xa3: {  	[sflag:s23] =	ssyncset.done $0x0  }
0xa4: {  	s25 =	simm.s32 $0x1B8E;
	s24 =	sld [smem:$0x3FFE];
	[sflag:s23] =	ssyncadd.s32 $0xFFFFFFFF  }
0xa5: {  	s26 =	simm.s32 $execute0_lowered;
	[smem:$0x3FD2] =	sst s25  }
0xa6: {  	s5 =	sshll.u32 s26, $0x1;
	_ =	strace $0x80000046;
	[dreg:$0x1] =	wrdreg $0xFFFFFFFF  }
0xa7: {  	s28 =	simm.s32 $_size_execute0_lowered;
	s3 =	sadd.s32 s3, s5;
	[dreg:$0x0] =	wrdreg $0x0  }
0xa8: {  	s5 =	sshll.u32 s28, $0x1;
	[dreg:$0x2] =	wrdreg s3  }
0xa9: {  	[dreg:$0x3] =	wrdreg s5  }
0xaa: {  	[dreg:$0x4] =	wrdreg $0xC0  }
0xab: {  	_ =	task [dreg:s7], $0x5FFFF  }
0xac: {  	[dreg:$0x1] =	wrdreg $0xFFFFFFFF  }
0xad: {  	[dreg:$0x0] =	wrdreg $0x60  }
0xae: {  	[dreg:$0x2] =	wrdreg s24  }
0xaf: {  	[dreg:$0x3] =	wrdreg s2  }
0xb0: {  	[dreg:$0x4] =	wrdreg $0x9  }
0xb1: {  	_ =	task.clear_ibuf [dreg:s7], $0x5FFFF;
	_ =	strace $0x90000046  }
0xb2: {  	s29 =	simm.s32 $0x9;
	_ =	strace $0x80000048  }
0xb3: {  	_ =	swait.ge [sflag:s29], $0x1  }
0xb4: {  	[sflag:s29] =	ssyncadd.s32 $0xFFFFFFFF  }
0xb5: {  	_ =	strace $0x90000048  }
0xb6: {  	_ =	sfence  }
0xb7: {  	s30 =	sld [smem:$0x0];
	_ =	sdelay $0x2  }
0xb8: {  	s31 =	sshll.u32 s1, $0xD;
	s1 =	sshrl.u32 s1, $0x2  }
0xb9: {  	s3 =	sand.u32 $0x4000, s31;
	s1 =	sadd.s32 s1, s30  }
0xba: {  	s0 =	sor.u32 s3, s0;
	s1 =	sshll.u32 s1, $0x11  }
0xbb: {  	s0 =	sor.u32 s1, s0  }
0xbc: {  	s0 =	sadd.s32 $0x8F2B, s0  }
0xbd: {  	[sflag:s0] =	ssyncadd.remote.s32 $0x1  }
0xbe: {  	_ =	sfence.sel $0xFFFF  }
0xbf: {  	[dreg:$0x0] =	wrdreg $0xFFFFFFFF;
	(pc) =	sbr.abs _section_cstart, $3  }
0xc0: {  	[dreg:$0x1] =	wrdreg $0xFFFFFFFF  }
0xc1: {  	_ =	task.clear_ibuf [dreg:s7], $0x2FFFF;
	_ =	strace $0x9FFFFFFF  }
0xc2: {  	(tm) =	ssettm $0x7FFFFFFF  }
0xc3: {  	_ =	shalt  }
tec
execute0_lowered:
.L_overlay_start_1:
0x0: {  	(tag) =	ssettag $0x1  }
0x1: {  	s0 =	rddreg [dreg:$0x0]  }
0x2: {  	s1 =	rddreg [dreg:$0x1]  }
0x3: {  	s2 =	srdreg.scid;
	s7 =	stileid.u32;
	s8 =	simm.s32 $0x32  }
0x4: {  	s9 =	simm.s32 $0x7000;
	s11 =	simm.s32 $0x7640;
	s13 =	simm.s32 $0x7C80  }
0x5: {  	s15 =	simm.s32 $0x82C0;
	s17 =	simm.s32 $0x8900;
	s19 =	simm.s32 $0x8F40  }
0x6: {  	s21 =	simm.s32 $0x9580;
	s23 =	simm.s32 $0x9BC0;
	s28 =	simm.s32 $0x4  }
0x7: {  	s29 =	simm.s32 $0x5;
	s30 =	simm.s32 $0x6;
	s31 =	simm.s32 $0x7  }
0x8: {  	s10 =	simm.s32 $0xA;
	s12 =	simm.s32 $0xB;
	s14 =	simm.s32 $0xC  }
0x9: {  	s16 =	simm.s32 $0xD;
	s18 =	simm.s32 $0xE;
	s20 =	simm.s32 $0xF  }
0xa: {  	s4 =	sand.u32 $0x1, s2;
	s2 =	simm.s32 $0x0;
	s3 =	sshll.u32 s7, $0xA  }
0xb: {  	s7 =	smul.u32 $0x32000, s7;
	s5 =	sshll.u32 s4, $0x9;
	[smem:$0x7FF] =	sst s2  }
0xc: {  	s6 =	ssub.s32 $0x2, s4;
	s4 =	smul.u32 $0x19000, s4;
	s3 =	sor.u32 s5, s3  }
0xd: {  	s22 =	simm.s32 $0x10;
	_ =	strace $0x80000047;
	s5 =	smul.u32 $0x7, s3  }
0xe: {  	s24 =	sshrl.u32 s6, $0x1;
	s25 =	sadd.s32 s7, s1;
	s1 =	simm.s32 $0x9  }
.Ltmp0:
0xf: {  	s3 =	sadd.s32 $0xF42E00, s0;
	s0 =	sadd.s32 s5, s0;
	(pc) =	sbr.rel .LBB2_1-.Ltmp0, $4  }
0x10: {  	s5 =	ssub.s32 s6, s24;
	s24 =	simm.s32 $0x1;
	s0 =	sadd.s32 $0xA00, s0  }
0x11: {  	s26 =	smax.u32 s5, $0x1;
	s5 =	simm.s32 $0x0;
	[dreg:$0x3] =	wrdreg s0  }
0x12: {  	[dreg:$0x4] =	wrdreg s26;
	s0 =	sadd.s32 s4, s25;
	s25 =	simm.s32 $0x2  }
0x13: {  	s26 =	simm.s32 $0x3;
	[dreg:$0x5] =	wrdreg s0;
	s0 =	simm.s32 $0x8  }
.LBB2_4:
0x14: {  	_ =	swait.ge [sflag:s10], $0x640  }
0x15: {  	[sflag:s10] =	ssyncset.done $0x0  }
0x16: {  	[sflag:s10] =	ssyncadd.s32 $0xFFFFF9C0  }
0x17: {  	_ =	swait.ge [sflag:s12], $0x640  }
0x18: {  	[sflag:s12] =	ssyncset.done $0x0  }
0x19: {  	[sflag:s12] =	ssyncadd.s32 $0xFFFFF9C0  }
0x1a: {  	_ =	swait.ge [sflag:s14], $0x640  }
0x1b: {  	[sflag:s14] =	ssyncset.done $0x0  }
0x1c: {  	[sflag:s14] =	ssyncadd.s32 $0xFFFFF9C0  }
0x1d: {  	_ =	swait.ge [sflag:s16], $0x640  }
0x1e: {  	[sflag:s16] =	ssyncset.done $0x0  }
0x1f: {  	[sflag:s16] =	ssyncadd.s32 $0xFFFFF9C0  }
0x20: {  	_ =	swait.ge [sflag:s18], $0x640  }
0x21: {  	[sflag:s18] =	ssyncset.done $0x0  }
0x22: {  	[sflag:s18] =	ssyncadd.s32 $0xFFFFF9C0  }
0x23: {  	_ =	swait.ge [sflag:s20], $0x640  }
0x24: {  	[sflag:s20] =	ssyncset.done $0x0  }
0x25: {  	[sflag:s20] =	ssyncadd.s32 $0xFFFFF9C0  }
0x26: {  	_ =	swait.ge [sflag:s22], $0x640  }
0x27: {  	s5 =	rddreg [dreg:$0x6]  }
0x28: {  	s4 =	rddreg [dreg:$0x4];
	s5 =	sadd.s32 $0x1, s5  }
0x29: {  	p0 =	sne.s32 s5, s4  }
.Ltmp1:
0x2a: {  	_ = 	snop;
	(pc) =	sbr.rel @!p0 .LBB2_5-.Ltmp1, $3  }
0x2b: {  	_ =	sdelay $0x1  }
0x2c: {  	[sflag:s22] =	ssyncset.done $0x0  }
0x2d: {  	[sflag:s22] =	ssyncadd.s32 $0xFFFFF9C0  }
.LBB2_1:
0x2e: {  	[dreg:$0x6] =	wrdreg s5  }
0x2f: {  	s4 =	rddreg [dreg:$0x3];
	s6 =	simm.s32 $0x11  }
0x30: {  	[tilespmem:s2], [sflag:$0x11] =	stream.linear.gather [hbm4b:s4+s2], $0x7000, $0x38;
	[tilespmem:$0xA200] =	vst v63  }
0x31: {  	_ =	swait.ge [sflag:s6], $0x7000  }
0x32: {  	[sflag:s6] =	ssyncset.done $0x0  }
0x33: {  	[sflag:s6] =	ssyncadd.s32 $0xFFFF9000  }
0x34: {  	[tilespmem:s9], [sflag:$0x1] =	stream.indirect.gather [hbm4b:s3+s8], $0x20, s2, s8, $0xb8;
	[tilespmem:$0xA200] =	vst v63  }
0x35: {  	s7 =	simm.s32 $0x38  }
0x36: {  	[tilespmem:s11], [sflag:$0x2] =	stream.indirect.gather [hbm4b:s3+s8], $0x20, s7, s8, $0xb8;
	[tilespmem:$0xA200] =	vst v63  }
0x37: {  	s5 =	simm.s32 $0x70  }
0x38: {  	[tilespmem:s13], [sflag:$0x3] =	stream.indirect.gather [hbm4b:s3+s8], $0x20, s5, s8, $0xb8;
	[tilespmem:$0xA200] =	vst v63  }
0x39: {  	s6 =	simm.s32 $0xA8  }
0x3a: {  	[tilespmem:s15], [sflag:$0x4] =	stream.indirect.gather [hbm4b:s3+s8], $0x20, s6, s8, $0xb8;
	[tilespmem:$0xA200] =	vst v63  }
0x3b: {  	s7 =	simm.s32 $0xE0  }
0x3c: {  	[tilespmem:s17], [sflag:$0x5] =	stream.indirect.gather [hbm4b:s3+s8], $0x20, s7, s8, $0xb8;
	[tilespmem:$0xA200] =	vst v63  }
0x3d: {  	s5 =	simm.s32 $0x118  }
0x3e: {  	[tilespmem:s19], [sflag:$0x6] =	stream.indirect.gather [hbm4b:s3+s8], $0x20, s5, s8, $0xb8;
	[tilespmem:$0xA200] =	vst v63  }
0x3f: {  	s6 =	simm.s32 $0x150  }
0x40: {  	[tilespmem:s21], [sflag:$0x7] =	stream.indirect.gather [hbm4b:s3+s8], $0x20, s6, s8, $0xb8;
	[tilespmem:$0xA200] =	vst v63  }
0x41: {  	s7 =	simm.s32 $0x188;
	s5 =	simm.s32 $0x0;
	s6 =	rddreg [dreg:$0x5]  }
0x42: {  	[tilespmem:s23], [sflag:$0x8] =	stream.indirect.gather [hbm4b:s3+s8], $0x20, s7, s8, $0xb8;
	[tilespmem:$0xA200] =	vst v63  }
.LBB2_2:
0x43: {  	_ =	swait.ge [sflag:s24], $0x640  }
0x44: {  	[sflag:s24] =	ssyncset.done $0x0  }
0x45: {  	[sflag:s24] =	ssyncadd.s32 $0xFFFFF9C0  }
0x46: {  	[hbm4b:s6+s2] =	stream.linear.scatter [tilespmem:s9], [sflag:$0x9], $0x640, $0x38;
	[tilespmem:$0xA200] =	vst v63  }
0x47: {  	_ =	swait.ge [sflag:s25], $0x640  }
0x48: {  	[sflag:s25] =	ssyncset.done $0x0  }
0x49: {  	s7 =	sadd.s32 $0xC8, s6;
	[sflag:s25] =	ssyncadd.s32 $0xFFFFF9C0  }
0x4a: {  	[hbm4b:s7+s2] =	stream.linear.scatter [tilespmem:s11], [sflag:$0xA], $0x640, $0x38;
	[tilespmem:$0xA200] =	vst v63  }
0x4b: {  	_ =	swait.ge [sflag:s26], $0x640  }
0x4c: {  	[sflag:s26] =	ssyncset.done $0x0  }
0x4d: {  	s4 =	sadd.s32 $0x190, s6;
	[sflag:s26] =	ssyncadd.s32 $0xFFFFF9C0  }
0x4e: {  	[hbm4b:s4+s2] =	stream.linear.scatter [tilespmem:s13], [sflag:$0xB], $0x640, $0x38;
	[tilespmem:$0xA200] =	vst v63  }
0x4f: {  	_ =	swait.ge [sflag:s28], $0x640  }
0x50: {  	[sflag:s28] =	ssyncset.done $0x0  }
0x51: {  	s4 =	sadd.s32 $0x258, s6;
	[sflag:s28] =	ssyncadd.s32 $0xFFFFF9C0  }
0x52: {  	[hbm4b:s4+s2] =	stream.linear.scatter [tilespmem:s15], [sflag:$0xC], $0x640, $0x38;
	[tilespmem:$0xA200] =	vst v63  }
0x53: {  	_ =	swait.ge [sflag:s29], $0x640  }
0x54: {  	[sflag:s29] =	ssyncset.done $0x0  }
0x55: {  	s4 =	sadd.s32 $0x320, s6;
	[sflag:s29] =	ssyncadd.s32 $0xFFFFF9C0  }
0x56: {  	[hbm4b:s4+s2] =	stream.linear.scatter [tilespmem:s17], [sflag:$0xD], $0x640, $0x38;
	[tilespmem:$0xA200] =	vst v63  }
0x57: {  	_ =	swait.ge [sflag:s30], $0x640  }
0x58: {  	[sflag:s30] =	ssyncset.done $0x0  }
0x59: {  	s4 =	sadd.s32 $0x3E8, s6;
	[sflag:s30] =	ssyncadd.s32 $0xFFFFF9C0  }
0x5a: {  	[hbm4b:s4+s2] =	stream.linear.scatter [tilespmem:s19], [sflag:$0xE], $0x640, $0x38;
	[tilespmem:$0xA200] =	vst v63  }
0x5b: {  	_ =	swait.ge [sflag:s31], $0x640  }
0x5c: {  	[sflag:s31] =	ssyncset.done $0x0  }
0x5d: {  	s4 =	sadd.s32 $0x4B0, s6;
	[sflag:s31] =	ssyncadd.s32 $0xFFFFF9C0  }
0x5e: {  	[hbm4b:s4+s2] =	stream.linear.scatter [tilespmem:s21], [sflag:$0xF], $0x640, $0x38;
	[tilespmem:$0xA200] =	vst v63  }
0x5f: {  	_ =	swait.ge [sflag:s0], $0x640  }
0x60: {  	p0 =	seq.s32 s5, $0x1B900;
	[sflag:s0] =	ssyncset.done $0x0  }
.Ltmp2:
0x61: {  	s4 =	sadd.s32 $0x578, s6;
	[sflag:s0] =	ssyncadd.s32 $0xFFFFF9C0;
	(pc) =	sbr.rel @p0 .LBB2_4-.Ltmp2, $4  }
0x62: {  	[hbm4b:s4+s2] =	stream.linear.scatter [tilespmem:s23], [sflag:$0x10], $0x640, $0x38;
	[tilespmem:$0xA200] =	vst v63  }
0x63: {  	_ =	swait.ge [sflag:s1], $0x640  }
0x64: {  	[sflag:s1] =	ssyncset.done $0x0  }
0x65: {  	[sflag:s1] =	ssyncadd.s32 $0xFFFFF9C0  }
0x66: {  	s7 =	sshra.s32 s5, $0x2  }
0x67: {  	s4 =	sadd.s32 $0x1C0, s7  }
0x68: {  	[tilespmem:s9], [sflag:$0x1] =	stream.indirect.gather [hbm4b:s3+s8], $0x20, s4, s8, $0xb8;
	[tilespmem:$0xA200] =	vst v63  }
0x69: {  	_ =	swait.ge [sflag:s10], $0x640  }
0x6a: {  	[sflag:s10] =	ssyncset.done $0x0  }
0x6b: {  	s4 =	sadd.s32 $0x1F8, s7;
	[sflag:s10] =	ssyncadd.s32 $0xFFFFF9C0  }
0x6c: {  	[tilespmem:s11], [sflag:$0x2] =	stream.indirect.gather [hbm4b:s3+s8], $0x20, s4, s8, $0xb8;
	[tilespmem:$0xA200] =	vst v63  }
0x6d: {  	_ =	swait.ge [sflag:s12], $0x640  }
0x6e: {  	[sflag:s12] =	ssyncset.done $0x0  }
0x6f: {  	s4 =	sadd.s32 $0x230, s7;
	[sflag:s12] =	ssyncadd.s32 $0xFFFFF9C0  }
0x70: {  	[tilespmem:s13], [sflag:$0x3] =	stream.indirect.gather [hbm4b:s3+s8], $0x20, s4, s8, $0xb8;
	[tilespmem:$0xA200] =	vst v63  }
0x71: {  	_ =	swait.ge [sflag:s14], $0x640  }
0x72: {  	[sflag:s14] =	ssyncset.done $0x0  }
0x73: {  	s4 =	sadd.s32 $0x268, s7;
	[sflag:s14] =	ssyncadd.s32 $0xFFFFF9C0  }
0x74: {  	[tilespmem:s15], [sflag:$0x4] =	stream.indirect.gather [hbm4b:s3+s8], $0x20, s4, s8, $0xb8;
	[tilespmem:$0xA200] =	vst v63  }
0x75: {  	_ =	swait.ge [sflag:s16], $0x640  }
0x76: {  	[sflag:s16] =	ssyncset.done $0x0  }
0x77: {  	s4 =	sadd.s32 $0x2A0, s7;
	[sflag:s16] =	ssyncadd.s32 $0xFFFFF9C0  }
0x78: {  	[tilespmem:s17], [sflag:$0x5] =	stream.indirect.gather [hbm4b:s3+s8], $0x20, s4, s8, $0xb8;
	[tilespmem:$0xA200] =	vst v63  }
0x79: {  	_ =	swait.ge [sflag:s18], $0x640  }
0x7a: {  	[sflag:s18] =	ssyncset.done $0x0  }
0x7b: {  	s4 =	sadd.s32 $0x2D8, s7;
	[sflag:s18] =	ssyncadd.s32 $0xFFFFF9C0  }
0x7c: {  	[tilespmem:s19], [sflag:$0x6] =	stream.indirect.gather [hbm4b:s3+s8], $0x20, s4, s8, $0xb8;
	[tilespmem:$0xA200] =	vst v63  }
0x7d: {  	_ =	swait.ge [sflag:s20], $0x640  }
0x7e: {  	[sflag:s20] =	ssyncset.done $0x0  }
0x7f: {  	s4 =	sadd.s32 $0x310, s7;
	[sflag:s20] =	ssyncadd.s32 $0xFFFFF9C0  }
0x80: {  	[tilespmem:s21], [sflag:$0x7] =	stream.indirect.gather [hbm4b:s3+s8], $0x20, s4, s8, $0xb8;
	[tilespmem:$0xA200] =	vst v63  }
.Ltmp3:
0x81: {  	_ = 	snop;
	(pc) =	sbr.rel .LBB2_2-.Ltmp3, $4  }
0x82: {  	_ =	swait.ge [sflag:s22], $0x640  }
0x83: {  	s5 =	sadd.s32 $0x700, s5;
	[sflag:s22] =	ssyncset.done $0x0  }
0x84: {  	s6 =	sadd.s32 $0x640, s6;
	s7 =	sadd.s32 $0x348, s7;
	[sflag:s22] =	ssyncadd.s32 $0xFFFFF9C0  }
0x85: {  	[tilespmem:s23], [sflag:$0x8] =	stream.indirect.gather [hbm4b:s3+s8], $0x20, s7, s8, $0xb8;
	[tilespmem:$0xA200] =	vst v63  }
.LBB2_5:
0x86: {  	_ =	sfence.sel $0x180000  }
0x87: {  	[bflag:$0x0] =	sbarrier.arrive $0xFFFF  }
0x88: {  	_ =	strace $0x90000047  }
0x89: {  	s0 =	stileid.u32;
	[bflag:$0x2] =	sbarrier.arrive $0xFFFF  }
0x8a: {  	p0 =	sne.s32 s0, $0x0;
	s0 =	rddreg [dreg:$0x2]  }
0x8b: {  	s0 =	sadd.s32 @!p0 $0x100000, s0  }
0x8c: {  	[sflag:s0] =	ssyncadd.tile.s32 @!p0 $0x1;
	_ =	shalt  }
.Lfunc_end2:
_tile_overlayer_lowered:
.L_overlay_start_2:
0x8d: {  	(tag) =	ssettag $0x2  }
0x8e: {  	s0 =	rddreg [dreg:$0x0];
	s2 =	stileid.u32  }
0x8f: {  	s1 =	rddreg [dreg:$0x1];
	p0 =	sne.s32 s2, $0x0  }
0x90: {  	s3 =	rddreg [dreg:$0x2];
	[bflag:$0x3] =	sbarrier.arrive $0xFFFF;
	s2 =	simm.s32 @!p0 $0x1C11  }
0x91: {  	[timem:s3], [sflag:s2] =	dma.local @!p0 [hbm:s0], s1  }
0x92: {  	s0 =	simm.s32 @!p0 $0x11  }
0x93: {  	_ =	swait.ge @!p0 [sflag:s0], s1  }
0x94: {  	s1 =	ssub.s32 @!p0 $0x0, s1;
	[sflag:s0] =	ssyncset.done @!p0 $0x0  }
0x95: {  	[sflag:s0] =	ssyncadd.s32 @!p0 s1  }
0x96: {  	[bflag:$0x3] =	sbarrier.arrive $0xFFFF  }
0x97: {  	_ =	shalt  }

// kernel: sparse-core-data-format-call.cloned.1.call-start
scs
called_computation_lowered:
.L_overlay_start_0:
0x0: {  	s2 =	sld [smem:$0x3FD9]  }
0x1: {  	s3 =	sld [smem:$0x3FFE];
	_ =	sdelay $0x1  }
0x2: {  	s1 =	srdreg.scid  }
0x3: {  	s0 =	sand.u32 $0x1, s1  }
0x4: {  	s18 =	sshll.u32 s0, $0xA;
	s2 =	sadd.s32 s3, s2  }
0x5: {  	s2 =	sadd.s32 s2, s18  }
0x6: {  	[smem:$0x3FC6] =	sst s2  }
0x7: {  	_ = 	snop  }
0x8: {  	s2 =	sld [smem:$0x3FD0];
	(tm) =	ssettm $0x1  }
0x9: {  	s19 =	sld [smem:$0x3FFB];
	_ =	sdelay $0x3  }
0xa: {  	_ =	strace s19  }
0xb: {  	s3 =	sld [smem:$0x3FFC];
	_ =	sdelay $0x3  }
0xc: {  	_ =	strace s3  }
0xd: {  	s3 =	sld [smem:$0x3FFD];
	_ =	sdelay $0x3  }
0xe: {  	_ =	strace s3  }
0xf: {  	_ =	strace $0x8FFFFFFF  }
0x10: {  	s20 =	sld [smem:$0x3FDB];
	_ =	sdelay $0x1  }
0x11: {  	s4 =	simm.s32 $_scs_section_size  }
0x12: {  	s5 =	simm.s32 $_size__tile_overlayer_lowered;
	s6 =	simm.s32 $_tile_overlayer_lowered  }
0x13: {  	s23 =	simm.s32 $0x1BFF;
	s22 =	sshll.u32 s6, $0x1;
	s3 =	sadd.s32 s4, s20  }
0x14: {  	s7 =	simm.s32 $0x0;
	s21 =	sshll.u32 s5, $0x1;
	s5 =	sadd.s32 s22, s3  }
0x15: {  	[timem:s7], [sflag:s23] =	dma.local [hbm:s5], s21  }
0x16: {  	_ =	swait.ge [sflag:s23], s21  }
0x17: {  	s4 =	ssub.s32 $0x0, s21;
	[sflag:s23] =	ssyncset.done $0x0  }
0x18: {  	[sflag:s23] =	ssyncadd.s32 s4;
	_ =	sdelay $0x1  }
0x19: {  	s24 =	simm.s32 $0x1B8B  }
0x1a: {  	_ =	swait.ge [sflag:s24], $0x1  }
0x1b: {  	[sflag:s24] =	ssyncset.done $0x0  }
0x1c: {  	s26 =	simm.s32 $0x1B8E;
	s25 =	sld [smem:$0x3FFE];
	[sflag:s24] =	ssyncadd.s32 $0xFFFFFFFF  }
0x1d: {  	s27 =	simm.s32 $execute0_lowered;
	[smem:$0x3FD2] =	sst s26  }
0x1e: {  	s5 =	sshll.u32 s27, $0x1;
	_ =	strace $0x80000049;
	[dreg:$0x1] =	wrdreg $0xFFFFFFFF  }
0x1f: {  	s28 =	simm.s32 $_size_execute0_lowered;
	s3 =	sadd.s32 s3, s5;
	[dreg:$0x0] =	wrdreg $0x0  }
0x20: {  	s5 =	sshll.u32 s28, $0x1;
	[dreg:$0x2] =	wrdreg s3  }
0x21: {  	[dreg:$0x3] =	wrdreg s5  }
0x22: {  	[dreg:$0x4] =	wrdreg $0xC0  }
0x23: {  	_ =	task [dreg:s7], $0x5FFFF  }
0x24: {  	[dreg:$0x1] =	wrdreg $0xFFFFFFFF  }
0x25: {  	[dreg:$0x0] =	wrdreg $0x60  }
0x26: {  	[dreg:$0x2] =	wrdreg s25  }
0x27: {  	[dreg:$0x3] =	wrdreg s2  }
0x28: {  	[dreg:$0x4] =	wrdreg $0x9  }
0x29: {  	_ =	task.clear_ibuf [dreg:s7], $0x5FFFF;
	_ =	strace $0x90000049  }
0x2a: {  	s29 =	simm.s32 $0x9;
	_ =	strace $0x8000004B  }
0x2b: {  	_ =	swait.ge [sflag:s29], $0x1  }
0x2c: {  	[sflag:s29] =	ssyncadd.s32 $0xFFFFFFFF  }
0x2d: {  	_ =	strace $0x9000004B  }
0x2e: {  	_ =	sfence  }
0x2f: {  	s30 =	sld [smem:$0x0];
	_ =	sdelay $0x2  }
0x30: {  	s31 =	sshll.u32 s1, $0xD;
	s1 =	sshrl.u32 s1, $0x2  }
0x31: {  	s3 =	sand.u32 $0x4000, s31;
	s1 =	sadd.s32 s1, s30  }
0x32: {  	s0 =	sor.u32 s3, s0;
	s1 =	sshll.u32 s1, $0x11  }
0x33: {  	s0 =	sor.u32 s1, s0  }
0x34: {  	s0 =	sadd.s32 $0x8F2B, s0  }
0x35: {  	[sflag:s0] =	ssyncadd.remote.s32 $0x1  }
0x36: {  	_ =	sfence.sel $0xFFFF  }
0x37: {  	[dreg:$0x0] =	wrdreg $0xFFFFFFFF;
	(pc) =	sbr.abs _section_cstart, $3  }
0x38: {  	[dreg:$0x1] =	wrdreg $0xFFFFFFFF  }
0x39: {  	_ =	task.clear_ibuf [dreg:s7], $0x2FFFF;
	_ =	strace $0x9FFFFFFF  }
0x3a: {  	(tm) =	ssettm $0x7FFFFFFF  }
0x3b: {  	_ =	shalt  }
tec
execute0_lowered:
.L_overlay_start_1:
0x0: {  	(tag) =	ssettag $0x1  }
0x1: {  	s0 =	srdreg.scid  }
0x2: {  	s1 =	sshll.u32 s0, $0x4  }
0x3: {  	s0 =	stileid.u32;
	s1 =	sand.u32 $0x10, s1  }
0x4: {  	s1 =	sor.u32 s0, s1  }
0x5: {  	s6 =	rddreg [dreg:$0x0];
	s4 =	simm.s32 $0x1;
	s2 =	sshll.u32 s1, $0x7  }
0x6: {  	s7 =	simm.s32 $0x2;
	s12 =	simm.s32 $0x0;
	s1 =	ssub.s32 $0x4000, s2  }
0x7: {  	s8 =	simm.s32 $0x20000;
	s13 =	simm.s32 $0x0;
	s3 =	sand.u32 $0xF80, s1  }
0x8: {  	s9 =	simm.s32 $0x0;
	s5 =	sshrl.u32 s1, $0xC;
	p0 =	sne.s32 s3, $0x0  }
.Ltmp0:
0x9: {  	s1 =	rddreg [dreg:$0x2];
	s4 =	simm.s32 @!p0 $0x0;
	(pc) =	sbr.rel .LBB1_1-.Ltmp0, $4  }
0xa: {  	s11 =	simm.s32 $0x0;
	s3 =	rddreg [dreg:$0x1];
	s5 =	sadd.s32 s4, s5  }
0xb: {  	_ =	strace $0x8000004A;
	s4 =	simm.s32 $0x1;
	s5 =	smul.u32 $0x32, s5  }
0xc: {  	s6 =	sadd.s32 $0xA00, s6;
	s10 =	smov.u32 s2;
	[sflag:s4] =	ssyncpa.u1 $0x0  }
0xd: {  	p0 =	por $0x0, $0x0;
	[sflag:s7] =	ssyncpa.u1 $0x0;
	s7 =	sor.u32 $0x1, s5  }
.LBB1_4:
0xe: {  	s16 =	sshll.u32 s13, $0x3;
	s17 =	sand.u32 $0x78, s13  }
0xf: {  	s30 =	sand.u32 $0xF800, s13;
	s12 =	sshll.u32 s12, $0x10;
	s16 =	sand.u32 $0x3C00, s16  }
0x10: {  	s31 =	sand.u32 $0x7, s13;
	s16 =	sor.u32 s17, s16;
	s17 =	sadd.s32 s3, s30  }
0x11: {  	s13 =	sshll.u32 s31, $0x12;
	s16 =	sshrl.u32 s16, $0x3;
	s12 =	sadd.s32 s12, s17  }
0x12: {  	[tilespmem:s15+$0x0 ss:$0x81] =	vst.msk $0xffff, v0;
	s13 =	sor.u32 $0x400, s13;
	s12 =	sadd.s32 s16, s12  }
0x13: {  	[hbm4b:s12+s13] =	stream.strided.scatter [tilespmem:s14], [sflag:$0x2], $0x1000, s8, s13, $0x20;
	[tilespmem:$0x4040] =	vst v63  }
.LBB1_5:
0x14: {  	s14 =	sadd.s32 $0x1, s9  }
0x15: {  	s12 =	sadd.s32 $0x1000, s10;
	s16 =	smov.u32 s10;
	p2 =	sgt.s32 s14, $0x31  }
0x16: {  	s16 =	smov.u32 @p2 s12  }
0x17: {  	s14 =	simm.s32 @p2 $0x0;
	p2 =	sgt.s32 s16, $0x3FFF  }
0x18: {  	s16 =	smov.u32 @p2 s2;
	p2 =	sne.s32 s11, s7  }
.Ltmp1:
0x19: {  	p1 =	slt.u32 s11, $0x2;
	(pc) =	sbr.rel @!p2 .LBB1_6-.Ltmp1, $4  }
0x1a: {  	s15 =	simm.s32 @!p1 $0x2  }
0x1b: {  	s13 =	smov.u32 s10;
	p0 =	por !p0, !p0;
	_ =	swait.ge @!p1 [sflag:s15], $0x1000  }
0x1c: {  	s12 =	smov.u32 s9;
	[sflag:s15] =	ssyncset.done @!p1 $0x0;
	s9 =	smov.u32 s14  }
0x1d: {  	s11 =	sadd.s32 $0x1, s11;
	[sflag:s15] =	ssyncadd.s32 @!p1 $0xFFFFF000;
	s10 =	smov.u32 s16  }
.LBB1_1:
0x1e: {  	p1 =	sge.u32 s11, s5  }
0x1f: {  	s14 =	sand.u32 @!p1 $0x1FFFFFF, s9  }
0x20: {  	s15 =	smulhi.u32 @!p1 $0x4924925, s14;
	_ =	sdelay $0x1  }
0x21: {  	s15 =	smul.u32 @!p1 $0x38, s15  }
0x22: {  	s16 =	sxor.u32 @!p1 $0xFFFFFFFF, s11;
	s17 =	smul.u32 @!p1 $0x380, s10  }
0x23: {  	s31 =	sadd.s32 $0xFFFFFFFF, s11;
	s16 =	sshll.u32 @!p1 s16, $0xC;
	s14 =	ssub.s32 @!p1 s14, s15  }
0x24: {  	s15 =	sand.u32 @!p1 $0x1000, s16;
	s16 =	sadd.s32 @!p1 s6, s17;
	s14 =	sshll.u32 @!p1 s14, $0x4  }
0x25: {  	s17 =	simm.s32 @!p1 $0x1C00;
	s14 =	sadd.s32 @!p1 s14, s16;
	s16 =	simm.s32 @!p1 $0x20  }
0x26: {  	[tilespmem:s15], [sflag:$0x1] =	stream.strided.gather @!p1 [hbm4b:s14+s16], $0x1000, s17, s16, $0x38;
	[tilespmem:$0x4040] =	vst v63  }
0x27: {  	p1 =	sge.u32 s31, s5  }
.Ltmp2:
0x28: {  	_ = 	snop;
	(pc) =	sbr.rel @p1 .LBB1_5-.Ltmp2, $1  }
0x29: {  	_ =	sdelay $0x3  }
0x2a: {  	s14 =	simm.s32 $0x1  }
0x2b: {  	_ =	swait.ge [sflag:s4], $0x1000;
	s14 =	simm.s32 @!p0 $0x0  }
0x2c: {  	[sflag:s4] =	ssyncset.done $0x0;
	s15 =	sshll.u32 s14, $0xC  }
0x2d: {  	[sflag:s4] =	ssyncadd.s32 $0xFFFFF000;
	s18 =	sor.u32 $0x10, s15  }
0x2e: {  	s14 =	smul.u32 $0x4080, s14;
	v1 =	vld [tilespmem:s18+$0x0]  }
0x2f: {  	s30 =	sand.u32 $0x1, s11;
	v0 =	vld [tilespmem:s18+$0xFFFFFFF0]  }
0x30: {  	s15 =	smul.u32 $0x4080, s30;
	s14 =	sshrl.u32 s14, $0x2  }
0x31: {  	s16 =	sor.u32 $0x2000, s14  }
0x32: {  	s31 =	sshrl.u32 s15, $0x2;
	s15 =	sadd.s32 $0x0, s16  }
0x33: {  	s17 =	simm.s32 $0x4;
	s18 =	sadd.s32 $0x20, s18;
	s14 =	sor.u32 $0x2000, s31;
	[tilespmem:s15+$0x810 ss:$0x81] =	vst.msk $0xffff, v1  }
.LBB1_3:
0x34: {  	v1 =	vld [tilespmem:s18+$0x0];
	p1 =	sne.s32 s17, $0x1FC;
	[tilespmem:s15+$0x0 ss:$0x81] =	vst.msk $0xffff, v0;
	s15 =	smov.u32 s17;
	s17 =	sadd.s32 $0x4, s17  }
.Ltmp3:
0x35: {  	v0 =	vld [tilespmem:s18+$0xFFFFFFF0];
	(pc) =	sbr.rel @p1 .LBB1_3-.Ltmp3, $4  }
0x36: {  	_ = 	snop  }
0x37: {  	s15 =	sshra.s32 s15, $0x2  }
0x38: {  	s15 =	sadd.s32 s15, s16  }
0x39: {  	s18 =	sadd.s32 $0x20, s18;
	[tilespmem:s15+$0x810 ss:$0x81] =	vst.msk $0xffff, v1  }
.Ltmp4:
0x3a: {  	_ = 	snop;
	(pc) =	sbr.rel .LBB1_4-.Ltmp4, $1  }
0x3b: {  	_ =	sdelay $0x3  }
.LBB1_6:
0x3c: {  	_ =	sfence.sel $0x180000  }
0x3d: {  	s2 =	simm.s32 $0x1;
	[bflag:$0x0] =	sbarrier.arrive $0xFFFF  }
0x3e: {  	s31 =	simm.s32 $0x2;
	[sflag:s2] =	ssyncpa.u1 $0x1  }
0x3f: {  	[sflag:s31] =	ssyncpa.u1 $0x1  }
0x40: {  	p0 =	sne.s32 s0, $0x0;
	_ =	strace $0x9000004A  }
0x41: {  	s0 =	sadd.s32 @!p0 $0x100000, s1;
	[bflag:$0x2] =	sbarrier.arrive $0xFFFF  }
0x42: {  	[sflag:s0] =	ssyncadd.tile.s32 @!p0 $0x1;
	_ =	shalt  }
.Lfunc_end1:
_tile_overlayer_lowered:
.L_overlay_start_2:
0x43: {  	(tag) =	ssettag $0x2  }
0x44: {  	s0 =	rddreg [dreg:$0x0];
	s2 =	stileid.u32  }
0x45: {  	s1 =	rddreg [dreg:$0x1];
	p0 =	sne.s32 s2, $0x0  }
0x46: {  	s3 =	rddreg [dreg:$0x2];
	[bflag:$0x3] =	sbarrier.arrive $0xFFFF;
	s2 =	simm.s32 @!p0 $0x1C01  }
0x47: {  	[timem:s3], [sflag:s2] =	dma.local @!p0 [hbm:s0], s1  }
0x48: {  	s0 =	simm.s32 @!p0 $0x1  }
0x49: {  	_ =	swait.ge @!p0 [sflag:s0], s1  }
0x4a: {  	s1 =	ssub.s32 @!p0 $0x0, s1;
	[sflag:s0] =	ssyncset.done @!p0 $0x0  }
0x4b: {  	[sflag:s0] =	ssyncadd.s32 @!p0 s1  }
0x4c: {  	[bflag:$0x3] =	sbarrier.arrive $0xFFFF  }
0x4d: {  	_ =	shalt  }

</sc_bundles>
